<compile_context>
chip_gen: v7x
topology: tpu7x:2x2x1
jax: 0.10.2.dev20260603
libtpu: 0.0.44.dev20260713+nightly
codegen_flags: <defaults>
</compile_context>

<pallas_src>
import jax
import jax.numpy as jnp
from jax import lax
from jax.experimental import pallas as pl
from jax.experimental.pallas import tpu as pltpu
from jax.experimental.pallas import tpu_sc as plsc

_N = 10000
_E = 320000
_D = 128

_CHUNK = 128
_NCHUNKS = _E // _CHUNK
_NC = 2
_NS = 16
_NW = _NC * _NS
_RPT = 632
_NPAD = _RPT * _NS
_TAIL = _RPT - 4 * _CHUNK

_mesh = lambda: plsc.VectorSubcoreMesh(core_axis_name="c", subcore_axis_name="s",
                                       num_cores=_NC, num_subcores=_NS)


def _init_acc(zsrc, acc_sh, base):
    for t in range(4):
        pltpu.sync_copy(zsrc, acc_sh.at[pl.ds(base + t * _CHUNK, _CHUNK)])
    pltpu.sync_copy(zsrc.at[pl.ds(0, _TAIL)],
                    acc_sh.at[pl.ds(base + 4 * _CHUNK, _TAIL)])


def _copy_out(acc_sh, out, c, base):
    for t in range(4):
        off = base + t * _CHUNK
        pltpu.sync_copy(acc_sh.at[pl.ds(off, _CHUNK)], out.at[c, pl.ds(off, _CHUNK)])
    tail = base + 4 * _CHUNK
    pltpu.sync_copy(acc_sh.at[pl.ds(tail, _TAIL)], out.at[c, pl.ds(tail, _TAIL)])


_NPAIR = 39
_NTAILC = _NCHUNKS - 78 * _NW


def _e0(wid, t):
    return (wid + t * _NW) * _CHUNK


def _sc_body(src_hbm, dst_hbm, node_hbm, zeros_hbm, ones_hbm,
             parts_out, degp_out, sA, dA, sB, dB, rows, acc_sh,
             sem, isemA, isemB):
    c = lax.axis_index("c")
    s = lax.axis_index("s")
    wid = s * _NC + c

    base = s * _RPT
    _init_acc(zeros_hbm, acc_sh, base)
    plsc.subcore_barrier()

    pltpu.sync_copy(src_hbm.at[pl.ds(_e0(wid, 0), _CHUNK)], sA)
    pltpu.sync_copy(dst_hbm.at[pl.ds(_e0(wid, 0), _CHUNK)], dA)
    pltpu.sync_copy(src_hbm.at[pl.ds(_e0(wid, 1), _CHUNK)], sB)
    pltpu.sync_copy(dst_hbm.at[pl.ds(_e0(wid, 1), _CHUNK)], dB)

    def pair(u, _):
        t0 = 2 * u
        t1 = 2 * u + 1

        @pl.when(u > 0)
        def _():
            pltpu.make_async_copy(src_hbm.at[pl.ds(_e0(wid, t0), _CHUNK)], sA, isemA).wait()
            pltpu.make_async_copy(dst_hbm.at[pl.ds(_e0(wid, t0), _CHUNK)], dA, isemA).wait()
        pltpu.async_copy(node_hbm.at[sA], rows, sem).wait()
        pltpu.sync_copy(rows, acc_sh.at[dA], add=True)

        @pl.when(u < _NPAIR - 1)
        def _():
            pltpu.async_copy(src_hbm.at[pl.ds(_e0(wid, t0 + 2), _CHUNK)], sA, isemA)
            pltpu.async_copy(dst_hbm.at[pl.ds(_e0(wid, t0 + 2), _CHUNK)], dA, isemA)

        @pl.when(u > 0)
        def _():
            pltpu.make_async_copy(src_hbm.at[pl.ds(_e0(wid, t1), _CHUNK)], sB, isemB).wait()
            pltpu.make_async_copy(dst_hbm.at[pl.ds(_e0(wid, t1), _CHUNK)], dB, isemB).wait()
        pltpu.async_copy(node_hbm.at[sB], rows, sem).wait()
        pltpu.sync_copy(rows, acc_sh.at[dB], add=True)

        @pl.when(u < _NPAIR - 1)
        def _():
            pltpu.async_copy(src_hbm.at[pl.ds(_e0(wid, t1 + 2), _CHUNK)], sB, isemB)
            pltpu.async_copy(dst_hbm.at[pl.ds(_e0(wid, t1 + 2), _CHUNK)], dB, isemB)
        return 0
    lax.fori_loop(0, _NPAIR, pair, 0)

    @pl.when(wid < _NTAILC)
    def _():
        e0 = (78 * _NW + wid) * _CHUNK
        pltpu.sync_copy(src_hbm.at[pl.ds(e0, _CHUNK)], sA)
        pltpu.sync_copy(dst_hbm.at[pl.ds(e0, _CHUNK)], dA)
        pltpu.async_copy(node_hbm.at[sA], rows, sem).wait()
        pltpu.sync_copy(rows, acc_sh.at[dA], add=True)
    plsc.subcore_barrier()

    _copy_out(acc_sh, parts_out, c, base)

    _init_acc(zeros_hbm, acc_sh, base)
    pltpu.sync_copy(ones_hbm, rows)
    plsc.subcore_barrier()

    pltpu.sync_copy(dst_hbm.at[pl.ds(_e0(wid, 0), _CHUNK)], dA)
    pltpu.sync_copy(dst_hbm.at[pl.ds(_e0(wid, 1), _CHUNK)], dB)

    def dpair(u, _):
        t0 = 2 * u
        t1 = 2 * u + 1

        @pl.when(u > 0)
        def _():
            pltpu.make_async_copy(dst_hbm.at[pl.ds(_e0(wid, t0), _CHUNK)], dA, isemA).wait()
        pltpu.sync_copy(rows, acc_sh.at[dA], add=True)

        @pl.when(u < _NPAIR - 1)
        def _():
            pltpu.async_copy(dst_hbm.at[pl.ds(_e0(wid, t0 + 2), _CHUNK)], dA, isemA)

        @pl.when(u > 0)
        def _():
            pltpu.make_async_copy(dst_hbm.at[pl.ds(_e0(wid, t1), _CHUNK)], dB, isemB).wait()
        pltpu.sync_copy(rows, acc_sh.at[dB], add=True)

        @pl.when(u < _NPAIR - 1)
        def _():
            pltpu.async_copy(dst_hbm.at[pl.ds(_e0(wid, t1 + 2), _CHUNK)], dB, isemB)
        return 0
    lax.fori_loop(0, _NPAIR, dpair, 0)

    @pl.when(wid < _NTAILC)
    def _():
        e0 = (78 * _NW + wid) * _CHUNK
        pltpu.sync_copy(dst_hbm.at[pl.ds(e0, _CHUNK)], dA)
        pltpu.sync_copy(rows, acc_sh.at[dA], add=True)
    plsc.subcore_barrier()

    _copy_out(acc_sh, degp_out, c, base)


def _sc_aggregate(src, dst, node_feats):
    kfn = pl.kernel(
        _sc_body,
        out_type=(jax.ShapeDtypeStruct((_NC, _NPAD, _D), jnp.float32),
                  jax.ShapeDtypeStruct((_NC, _NPAD, _D), jnp.float32)),
        mesh=_mesh(),
        scratch_types=[
            pltpu.VMEM((_CHUNK,), jnp.int32),
            pltpu.VMEM((_CHUNK,), jnp.int32),
            pltpu.VMEM((_CHUNK,), jnp.int32),
            pltpu.VMEM((_CHUNK,), jnp.int32),
            pltpu.VMEM((_CHUNK, _D), jnp.float32),
            pltpu.VMEM_SHARED((_NPAD, _D), jnp.float32),
            pltpu.SemaphoreType.DMA,
            pltpu.SemaphoreType.DMA,
            pltpu.SemaphoreType.DMA,
        ],
    )
    zeros128 = jnp.zeros((_CHUNK, _D), jnp.float32)
    ones128 = jnp.ones((_CHUNK, _D), jnp.float32)
    return kfn(src, dst, node_feats, zeros128, ones128)


def _dense_body(x_ref, p_ref, d_ref, ws_ref, wn_ref, wr_ref,
                bias_ref, bres_ref, gamma_ref, beta_ref, out_ref):
    x = x_ref[...]
    agg = p_ref[0, :_N] + p_ref[1, :_N]
    deg = d_ref[0, :_N, 0:1] + d_ref[1, :_N, 0:1]
    h_neigh = agg / jnp.maximum(deg, 1.0)
    rst = (jnp.dot(x, ws_ref[...], preferred_element_type=jnp.float32)
           + jnp.dot(h_neigh, wn_ref[...], preferred_element_type=jnp.float32)
           + bias_ref[...])
    res = jnp.maximum(
        jnp.dot(x, wr_ref[...], preferred_element_type=jnp.float32) + bres_ref[...],
        0.0)
    h = rst + res
    mean = jnp.mean(h, axis=0, keepdims=True)
    var = jnp.mean((h - mean) ** 2, axis=0, keepdims=True)
    out_ref[...] = ((h - mean) * lax.rsqrt(var + 1e-5)) * gamma_ref[...] + beta_ref[...]


@jax.jit
def kernel(node_feats, edge_index, W_self, W_neigh, bias, W_res, b_res, gamma, beta):
    parts, degp = _sc_aggregate(edge_index[0], edge_index[1], node_feats)
    return pl.pallas_call(
        _dense_body,
        out_shape=jax.ShapeDtypeStruct((_N, _D), jnp.float32),
    )(node_feats, parts, degp, W_self, W_neigh, W_res,
      bias.reshape(1, _D), b_res.reshape(1, _D),
      gamma.reshape(1, _D), beta.reshape(1, _D))

# --- scband reference (transcript-rebuilt; emitter-appended) ---
"""Pipeline reference for scband-graph-sagelayer-80779744903955 (READ-ONLY COPY).

The authoritative reference and input builder live on the scoring server;
editing this copy changes nothing except your own understanding.
"""

import jax, jax.numpy as jnp
import numpy as np

N = 10000
E = 320000
D_IN = 128
D_OUT = 128


def setup_inputs(seed: int = 0) -> dict:
    key = jax.random.key(seed)
    ks = jax.random.split(key, 10)
    node_feats = jax.random.normal(ks[0], (N, D_IN), dtype=jnp.float32)
    edge_index = jax.random.randint(ks[1], (2, E), 0, N, dtype=jnp.int32)
    s_in = 1.0 / np.sqrt(D_IN)
    W_self = jax.random.uniform(ks[2], (D_IN, D_OUT), dtype=jnp.float32, minval=-s_in, maxval=s_in)
    W_neigh = jax.random.uniform(ks[3], (D_IN, D_OUT), dtype=jnp.float32, minval=-s_in, maxval=s_in)
    bias = jnp.zeros((D_OUT,), dtype=jnp.float32)
    W_res = jax.random.uniform(ks[4], (D_IN, D_OUT), dtype=jnp.float32, minval=-s_in, maxval=s_in)
    b_res = jax.random.uniform(ks[5], (D_OUT,), dtype=jnp.float32, minval=-s_in, maxval=s_in)
    gamma = jnp.ones((D_OUT,), dtype=jnp.float32)
    beta = jnp.zeros((D_OUT,), dtype=jnp.float32)
    return {"node_feats": node_feats, "edge_index": edge_index, "W_self": W_self,
            "W_neigh": W_neigh, "bias": bias, "W_res": W_res, "b_res": b_res,
            "gamma": gamma, "beta": beta}


def reference(node_feats, edge_index, W_self, W_neigh, bias, W_res, b_res, gamma, beta):
    src = edge_index[0]
    dst = edge_index[1]
    # SAGEConv 'mean' aggregator: mean of in-neighbor (src) features per dst node
    msgs = jnp.take(node_feats, src, axis=0)                      # gather  [E, D_IN]
    agg = jax.ops.segment_sum(msgs, dst, num_segments=N)          # scatter-add [N, D_IN]
    deg = jax.ops.segment_sum(jnp.ones((E,), dtype=jnp.float32), dst, num_segments=N)
    h_neigh = agg / jnp.clip(deg, 1.0, None)[:, None]
    # rst = fc_self(h) + fc_neigh(h_neigh) + bias
    rst = node_feats @ W_self + h_neigh @ W_neigh + bias
    # residual connection: relu(Linear(node_feats))
    res_feats = jax.nn.relu(node_feats @ W_res + b_res)
    h = rst + res_feats
    # BatchNorm1d (training mode): normalize over batch dim, biased variance
    mean = jnp.mean(h, axis=0)
    var = jnp.mean((h - mean) ** 2, axis=0)
    h_norm = (h - mean) / jnp.sqrt(var + 1e-5)
    return h_norm * gamma + beta

if __name__ == "__main__":
    import jax
    _d = setup_inputs()
    print(jax.jit(kernel)(*tuple(_d.values())))

</pallas_src>

<mosaic_0001>
#map = affine_map<(d0, d1) -> (0)>
#map1 = affine_map<(d0, d1) -> (0, 0)>
#map2 = affine_map<(d0, d1) -> (0, 0, 0)>
module attributes {stable_mosaic.version = 14 : i64} {
  func.func @_sc_body(%arg0: i32, %arg1: i32, %arg2: memref<320000xi32, #tpu.memory_space<hbm>>, %arg3: memref<320000xi32, #tpu.memory_space<hbm>>, %arg4: memref<10000x128xf32, #tpu.memory_space<hbm>>, %arg5: memref<128x128xf32, #tpu.memory_space<hbm>>, %arg6: memref<128x128xf32, #tpu.memory_space<hbm>>, %arg7: memref<2x10112x128xf32, #tpu.memory_space<hbm>>, %arg8: memref<2x10112x128xf32, #tpu.memory_space<hbm>>, %arg9: memref<128xi32, #tpu.memory_space<vmem>>, %arg10: memref<128xi32, #tpu.memory_space<vmem>>, %arg11: memref<128xi32, #tpu.memory_space<vmem>>, %arg12: memref<128xi32, #tpu.memory_space<vmem>>, %arg13: memref<128x128xf32, #tpu.memory_space<vmem>>, %arg14: memref<10112x128xf32, #tpu.memory_space<vmem_shared>>, %arg15: memref<!tpu.dma_semaphore, #tpu.memory_space<semaphore_mem>>, %arg16: memref<!tpu.dma_semaphore, #tpu.memory_space<semaphore_mem>>, %arg17: memref<!tpu.dma_semaphore, #tpu.memory_space<semaphore_mem>>) attributes {dimension_semantics = [#tpu.dimension_semantics<core_parallel>, #tpu.dimension_semantics<subcore_parallel>], iteration_bounds = array<i64: 2, 16>, scalar_prefetch = 0 : i64, scratch_operands = 9 : i64, tpu.core_type = #tpu.core_type<sc_vector_subcore>, window_params = [{transform_indices = #map}, {transform_indices = #map}, {transform_indices = #map1}, {transform_indices = #map1}, {transform_indices = #map1}, {transform_indices = #map2}, {transform_indices = #map2}]} {
    %mul3A = arith.constant 2 : i32
    %mul3A_0 = arith.muli %arg1, %mul3A : i32
    %add3A = arith.addi %mul3A_0, %arg0 : i32
    %mul3A_1 = arith.constant 632 : i32
    %mul3A_2 = arith.muli %arg1, %mul3A_1 : i32
    %add3A_3 = arith.constant 0 : i32
    %add3A_4 = arith.addi %mul3A_2, %add3A_3 : i32
    "tpu.region"() ({
      %run_scoped3A = tpu.sem_alloc : memref<!tpu.dma_semaphore, #tpu.memory_space<semaphore_mem>>
      %dma_start3A = arith.constant 0 : i32
      %dma_start3A_90 = tpu.memref_slice %arg14[%add3A_4, %dma_start3A] : memref<10112x128xf32, #tpu.memory_space<vmem_shared>> -> memref<128x128xf32, #tpu.memory_space<vmem_shared>>
      tpu.enqueue_dma source(%arg5 : memref<128x128xf32, #tpu.memory_space<hbm>>) target(%dma_start3A_90 : memref<128x128xf32, #tpu.memory_space<vmem_shared>>) target_semaphore(%run_scoped3A : memref<!tpu.dma_semaphore, #tpu.memory_space<semaphore_mem>>)
      %dma_wait3A = arith.constant 0 : i32
      %dma_wait3A_91 = tpu.memref_slice %arg14[%add3A_4, %dma_wait3A] : memref<10112x128xf32, #tpu.memory_space<vmem_shared>> -> memref<128x128xf32, #tpu.memory_space<vmem_shared>>
      tpu.wait_dma2 semaphore(%run_scoped3A : memref<!tpu.dma_semaphore, #tpu.memory_space<semaphore_mem>>) src(%arg5 : memref<128x128xf32, #tpu.memory_space<hbm>>) dst(%dma_wait3A_91 : memref<128x128xf32, #tpu.memory_space<vmem_shared>>)
      tpu.yield
    }) : () -> ()
    %add3A_5 = arith.constant 128 : i32
    %add3A_6 = arith.addi %mul3A_2, %add3A_5 : i32
    "tpu.region"() ({
      %run_scoped3A = tpu.sem_alloc : memref<!tpu.dma_semaphore, #tpu.memory_space<semaphore_mem>>
      %dma_start3A = arith.constant 0 : i32
      %dma_start3A_90 = tpu.memref_slice %arg14[%add3A_6, %dma_start3A] : memref<10112x128xf32, #tpu.memory_space<vmem_shared>> -> memref<128x128xf32, #tpu.memory_space<vmem_shared>>
      tpu.enqueue_dma source(%arg5 : memref<128x128xf32, #tpu.memory_space<hbm>>) target(%dma_start3A_90 : memref<128x128xf32, #tpu.memory_space<vmem_shared>>) target_semaphore(%run_scoped3A : memref<!tpu.dma_semaphore, #tpu.memory_space<semaphore_mem>>)
      %dma_wait3A = arith.constant 0 : i32
      %dma_wait3A_91 = tpu.memref_slice %arg14[%add3A_6, %dma_wait3A] : memref<10112x128xf32, #tpu.memory_space<vmem_shared>> -> memref<128x128xf32, #tpu.memory_space<vmem_shared>>
      tpu.wait_dma2 semaphore(%run_scoped3A : memref<!tpu.dma_semaphore, #tpu.memory_space<semaphore_mem>>) src(%arg5 : memref<128x128xf32, #tpu.memory_space<hbm>>) dst(%dma_wait3A_91 : memref<128x128xf32, #tpu.memory_space<vmem_shared>>)
      tpu.yield
    }) : () -> ()
    %add3A_7 = arith.constant 256 : i32
    %add3A_8 = arith.addi %mul3A_2, %add3A_7 : i32
    "tpu.region"() ({
      %run_scoped3A = tpu.sem_alloc : memref<!tpu.dma_semaphore, #tpu.memory_space<semaphore_mem>>
      %dma_start3A = arith.constant 0 : i32
      %dma_start3A_90 = tpu.memref_slice %arg14[%add3A_8, %dma_start3A] : memref<10112x128xf32, #tpu.memory_space<vmem_shared>> -> memref<128x128xf32, #tpu.memory_space<vmem_shared>>
      tpu.enqueue_dma source(%arg5 : memref<128x128xf32, #tpu.memory_space<hbm>>) target(%dma_start3A_90 : memref<128x128xf32, #tpu.memory_space<vmem_shared>>) target_semaphore(%run_scoped3A : memref<!tpu.dma_semaphore, #tpu.memory_space<semaphore_mem>>)
      %dma_wait3A = arith.constant 0 : i32
      %dma_wait3A_91 = tpu.memref_slice %arg14[%add3A_8, %dma_wait3A] : memref<10112x128xf32, #tpu.memory_space<vmem_shared>> -> memref<128x128xf32, #tpu.memory_space<vmem_shared>>
      tpu.wait_dma2 semaphore(%run_scoped3A : memref<!tpu.dma_semaphore, #tpu.memory_space<semaphore_mem>>) src(%arg5 : memref<128x128xf32, #tpu.memory_space<hbm>>) dst(%dma_wait3A_91 : memref<128x128xf32, #tpu.memory_space<vmem_shared>>)
      tpu.yield
    }) : () -> ()
    %add3A_9 = arith.constant 384 : i32
    %add3A_10 = arith.addi %mul3A_2, %add3A_9 : i32
    "tpu.region"() ({
      %run_scoped3A = tpu.sem_alloc : memref<!tpu.dma_semaphore, #tpu.memory_space<semaphore_mem>>
      %dma_start3A = arith.constant 0 : i32
      %dma_start3A_90 = tpu.memref_slice %arg14[%add3A_10, %dma_start3A] : memref<10112x128xf32, #tpu.memory_space<vmem_shared>> -> memref<128x128xf32, #tpu.memory_space<vmem_shared>>
      tpu.enqueue_dma source(%arg5 : memref<128x128xf32, #tpu.memory_space<hbm>>) target(%dma_start3A_90 : memref<128x128xf32, #tpu.memory_space<vmem_shared>>) target_semaphore(%run_scoped3A : memref<!tpu.dma_semaphore, #tpu.memory_space<semaphore_mem>>)
      %dma_wait3A = arith.constant 0 : i32
      %dma_wait3A_91 = tpu.memref_slice %arg14[%add3A_10, %dma_wait3A] : memref<10112x128xf32, #tpu.memory_space<vmem_shared>> -> memref<128x128xf32, #tpu.memory_space<vmem_shared>>
      tpu.wait_dma2 semaphore(%run_scoped3A : memref<!tpu.dma_semaphore, #tpu.memory_space<semaphore_mem>>) src(%arg5 : memref<128x128xf32, #tpu.memory_space<hbm>>) dst(%dma_wait3A_91 : memref<128x128xf32, #tpu.memory_space<vmem_shared>>)
      tpu.yield
    }) : () -> ()
    %add3A_11 = arith.constant 512 : i32
    %add3A_12 = arith.addi %mul3A_2, %add3A_11 : i32
    "tpu.region"() ({
      %run_scoped3A = tpu.sem_alloc : memref<!tpu.dma_semaphore, #tpu.memory_space<semaphore_mem>>
      %dma_start3A = arith.constant 0 : i32
      %dma_start3A_90 = tpu.memref_slice %arg14[%add3A_12, %dma_start3A] : memref<10112x128xf32, #tpu.memory_space<vmem_shared>> -> memref<120x128xf32, #tpu.memory_space<vmem_shared>>
      %dma_start3A_91 = arith.constant 0 : i32
      %dma_start3A_92 = arith.constant 0 : i32
      %dma_start3A_93 = tpu.memref_slice %arg5[%dma_start3A_91, %dma_start3A_92] : memref<128x128xf32, #tpu.memory_space<hbm>> -> memref<120x128xf32, #tpu.memory_space<hbm>>
      tpu.enqueue_dma source(%dma_start3A_93 : memref<120x128xf32, #tpu.memory_space<hbm>>) target(%dma_start3A_90 : memref<120x128xf32, #tpu.memory_space<vmem_shared>>) target_semaphore(%run_scoped3A : memref<!tpu.dma_semaphore, #tpu.memory_space<semaphore_mem>>)
      %dma_wait3A = arith.constant 0 : i32
      %dma_wait3A_94 = tpu.memref_slice %arg14[%add3A_12, %dma_wait3A] : memref<10112x128xf32, #tpu.memory_space<vmem_shared>> -> memref<120x128xf32, #tpu.memory_space<vmem_shared>>
      %dma_wait3A_95 = arith.constant 0 : i32
      %dma_wait3A_96 = arith.constant 0 : i32
      %dma_wait3A_97 = tpu.memref_slice %arg5[%dma_wait3A_95, %dma_wait3A_96] : memref<128x128xf32, #tpu.memory_space<hbm>> -> memref<120x128xf32, #tpu.memory_space<hbm>>
      tpu.wait_dma2 semaphore(%run_scoped3A : memref<!tpu.dma_semaphore, #tpu.memory_space<semaphore_mem>>) src(%dma_wait3A_97 : memref<120x128xf32, #tpu.memory_space<hbm>>) dst(%dma_wait3A_94 : memref<120x128xf32, #tpu.memory_space<vmem_shared>>)
      tpu.yield
    }) : () -> ()
    %barrier3A = arith.constant 0 : index
    tpu.barrier barrier_id(%barrier3A)
    %add3A_13 = arith.constant 0 : i32
    %add3A_14 = arith.addi %add3A, %add3A_13 : i32
    %mul3A_15 = arith.constant 128 : i32
    %mul3A_16 = arith.muli %add3A_14, %mul3A_15 : i32
    "tpu.region"() ({
      %run_scoped3A = tpu.sem_alloc : memref<!tpu.dma_semaphore, #tpu.memory_space<semaphore_mem>>
      %dma_start3A = tpu.memref_slice %arg2[%mul3A_16] : memref<320000xi32, #tpu.memory_space<hbm>> -> memref<128xi32, #tpu.memory_space<hbm>>
      %dma_start3A_90 = tpu.memref_slice %arg2[%mul3A_16] : memref<320000xi32, #tpu.memory_space<hbm>> -> memref<128xi32, #tpu.memory_space<hbm>>
      tpu.enqueue_dma source(%dma_start3A_90 : memref<128xi32, #tpu.memory_space<hbm>>) target(%arg9 : memref<128xi32, #tpu.memory_space<vmem>>) target_semaphore(%run_scoped3A : memref<!tpu.dma_semaphore, #tpu.memory_space<semaphore_mem>>)
      %dma_wait3A = tpu.memref_slice %arg2[%mul3A_16] : memref<320000xi32, #tpu.memory_space<hbm>> -> memref<128xi32, #tpu.memory_space<hbm>>
      %dma_wait3A_91 = tpu.memref_slice %arg2[%mul3A_16] : memref<320000xi32, #tpu.memory_space<hbm>> -> memref<128xi32, #tpu.memory_space<hbm>>
      tpu.wait_dma2 semaphore(%run_scoped3A : memref<!tpu.dma_semaphore, #tpu.memory_space<semaphore_mem>>) src(%dma_wait3A_91 : memref<128xi32, #tpu.memory_space<hbm>>) dst(%arg9 : memref<128xi32, #tpu.memory_space<vmem>>)
      tpu.yield
    }) : () -> ()
    %add3A_17 = arith.constant 0 : i32
    %add3A_18 = arith.addi %add3A, %add3A_17 : i32
    %mul3A_19 = arith.constant 128 : i32
    %mul3A_20 = arith.muli %add3A_18, %mul3A_19 : i32
    "tpu.region"() ({
      %run_scoped3A = tpu.sem_alloc : memref<!tpu.dma_semaphore, #tpu.memory_space<semaphore_mem>>
      %dma_start3A = tpu.memref_slice %arg3[%mul3A_20] : memref<320000xi32, #tpu.memory_space<hbm>> -> memref<128xi32, #tpu.memory_space<hbm>>
      %dma_start3A_90 = tpu.memref_slice %arg3[%mul3A_20] : memref<320000xi32, #tpu.memory_space<hbm>> -> memref<128xi32, #tpu.memory_space<hbm>>
      tpu.enqueue_dma source(%dma_start3A_90 : memref<128xi32, #tpu.memory_space<hbm>>) target(%arg10 : memref<128xi32, #tpu.memory_space<vmem>>) target_semaphore(%run_scoped3A : memref<!tpu.dma_semaphore, #tpu.memory_space<semaphore_mem>>)
      %dma_wait3A = tpu.memref_slice %arg3[%mul3A_20] : memref<320000xi32, #tpu.memory_space<hbm>> -> memref<128xi32, #tpu.memory_space<hbm>>
      %dma_wait3A_91 = tpu.memref_slice %arg3[%mul3A_20] : memref<320000xi32, #tpu.memory_space<hbm>> -> memref<128xi32, #tpu.memory_space<hbm>>
      tpu.wait_dma2 semaphore(%run_scoped3A : memref<!tpu.dma_semaphore, #tpu.memory_space<semaphore_mem>>) src(%dma_wait3A_91 : memref<128xi32, #tpu.memory_space<hbm>>) dst(%arg10 : memref<128xi32, #tpu.memory_space<vmem>>)
      tpu.yield
    }) : () -> ()
    %add3A_21 = arith.constant 32 : i32
    %add3A_22 = arith.addi %add3A, %add3A_21 : i32
    %mul3A_23 = arith.constant 128 : i32
    %mul3A_24 = arith.muli %add3A_22, %mul3A_23 : i32
    "tpu.region"() ({
      %run_scoped3A = tpu.sem_alloc : memref<!tpu.dma_semaphore, #tpu.memory_space<semaphore_mem>>
      %dma_start3A = tpu.memref_slice %arg2[%mul3A_24] : memref<320000xi32, #tpu.memory_space<hbm>> -> memref<128xi32, #tpu.memory_space<hbm>>
      %dma_start3A_90 = tpu.memref_slice %arg2[%mul3A_24] : memref<320000xi32, #tpu.memory_space<hbm>> -> memref<128xi32, #tpu.memory_space<hbm>>
      tpu.enqueue_dma source(%dma_start3A_90 : memref<128xi32, #tpu.memory_space<hbm>>) target(%arg11 : memref<128xi32, #tpu.memory_space<vmem>>) target_semaphore(%run_scoped3A : memref<!tpu.dma_semaphore, #tpu.memory_space<semaphore_mem>>)
      %dma_wait3A = tpu.memref_slice %arg2[%mul3A_24] : memref<320000xi32, #tpu.memory_space<hbm>> -> memref<128xi32, #tpu.memory_space<hbm>>
      %dma_wait3A_91 = tpu.memref_slice %arg2[%mul3A_24] : memref<320000xi32, #tpu.memory_space<hbm>> -> memref<128xi32, #tpu.memory_space<hbm>>
      tpu.wait_dma2 semaphore(%run_scoped3A : memref<!tpu.dma_semaphore, #tpu.memory_space<semaphore_mem>>) src(%dma_wait3A_91 : memref<128xi32, #tpu.memory_space<hbm>>) dst(%arg11 : memref<128xi32, #tpu.memory_space<vmem>>)
      tpu.yield
    }) : () -> ()
    %add3A_25 = arith.constant 32 : i32
    %add3A_26 = arith.addi %add3A, %add3A_25 : i32
    %mul3A_27 = arith.constant 128 : i32
    %mul3A_28 = arith.muli %add3A_26, %mul3A_27 : i32
    "tpu.region"() ({
      %run_scoped3A = tpu.sem_alloc : memref<!tpu.dma_semaphore, #tpu.memory_space<semaphore_mem>>
      %dma_start3A = tpu.memref_slice %arg3[%mul3A_28] : memref<320000xi32, #tpu.memory_space<hbm>> -> memref<128xi32, #tpu.memory_space<hbm>>
      %dma_start3A_90 = tpu.memref_slice %arg3[%mul3A_28] : memref<320000xi32, #tpu.memory_space<hbm>> -> memref<128xi32, #tpu.memory_space<hbm>>
      tpu.enqueue_dma source(%dma_start3A_90 : memref<128xi32, #tpu.memory_space<hbm>>) target(%arg12 : memref<128xi32, #tpu.memory_space<vmem>>) target_semaphore(%run_scoped3A : memref<!tpu.dma_semaphore, #tpu.memory_space<semaphore_mem>>)
      %dma_wait3A = tpu.memref_slice %arg3[%mul3A_28] : memref<320000xi32, #tpu.memory_space<hbm>> -> memref<128xi32, #tpu.memory_space<hbm>>
      %dma_wait3A_91 = tpu.memref_slice %arg3[%mul3A_28] : memref<320000xi32, #tpu.memory_space<hbm>> -> memref<128xi32, #tpu.memory_space<hbm>>
      tpu.wait_dma2 semaphore(%run_scoped3A : memref<!tpu.dma_semaphore, #tpu.memory_space<semaphore_mem>>) src(%dma_wait3A_91 : memref<128xi32, #tpu.memory_space<hbm>>) dst(%arg12 : memref<128xi32, #tpu.memory_space<vmem>>)
      tpu.yield
    }) : () -> ()
    %scan3A = arith.constant 0 : i32
    %scan3A_29 = arith.constant 0 : i32
    %scan3A_30 = arith.constant 39 : i32
    %scan3A_31 = arith.addi %scan3A_29, %scan3A_30 : i32
    %scan3A_32 = arith.constant 1 : i32
    %scan3A_33 = scf.for %scan3A_90 = %scan3A_29 to %scan3A_31 step %scan3A_32 iter_args(%scan3A_91 = %scan3A) -> (i32)  : i32 {
      %mul3A_92 = arith.constant 2 : i32
      %mul3A_93 = arith.muli %mul3A_92, %scan3A_90 : i32
      %mul3A_94 = arith.constant 2 : i32
      %mul3A_95 = arith.muli %mul3A_94, %scan3A_90 : i32
      %add3A_96 = arith.constant 1 : i32
      %add3A_97 = arith.addi %mul3A_95, %add3A_96 : i32
      %gt3A = arith.constant 0 : i32
      %gt3A_98 = arith.cmpi sgt, %scan3A_90, %gt3A : i32
      %convert_element_type3A_99 = arith.extui %gt3A_98 : i1 to i32
      %cond3A_100 = arith.constant 0 : i32
      %cond3A_101 = arith.cmpi ne, %convert_element_type3A_99, %cond3A_100 : i32
      scf.if %cond3A_101 {
        %mul3A_128 = arith.constant 32 : i32
        %mul3A_129 = arith.muli %mul3A_93, %mul3A_128 : i32
        %add3A_130 = arith.addi %add3A, %mul3A_129 : i32
        %mul3A_131 = arith.constant 128 : i32
        %mul3A_132 = arith.muli %add3A_130, %mul3A_131 : i32
        %dma_wait3A_133 = tpu.memref_slice %arg2[%mul3A_132] : memref<320000xi32, #tpu.memory_space<hbm>> -> memref<128xi32, #tpu.memory_space<hbm>>
        %dma_wait3A_134 = tpu.memref_slice %arg2[%mul3A_132] : memref<320000xi32, #tpu.memory_space<hbm>> -> memref<128xi32, #tpu.memory_space<hbm>>
        tpu.wait_dma2 semaphore(%arg16 : memref<!tpu.dma_semaphore, #tpu.memory_space<semaphore_mem>>) src(%dma_wait3A_134 : memref<128xi32, #tpu.memory_space<hbm>>) dst(%arg9 : memref<128xi32, #tpu.memory_space<vmem>>)
        %mul3A_135 = arith.constant 32 : i32
        %mul3A_136 = arith.muli %mul3A_93, %mul3A_135 : i32
        %add3A_137 = arith.addi %add3A, %mul3A_136 : i32
        %mul3A_138 = arith.constant 128 : i32
        %mul3A_139 = arith.muli %add3A_137, %mul3A_138 : i32
        %dma_wait3A_140 = tpu.memref_slice %arg3[%mul3A_139] : memref<320000xi32, #tpu.memory_space<hbm>> -> memref<128xi32, #tpu.memory_space<hbm>>
        %dma_wait3A_141 = tpu.memref_slice %arg3[%mul3A_139] : memref<320000xi32, #tpu.memory_space<hbm>> -> memref<128xi32, #tpu.memory_space<hbm>>
        tpu.wait_dma2 semaphore(%arg16 : memref<!tpu.dma_semaphore, #tpu.memory_space<semaphore_mem>>) src(%dma_wait3A_141 : memref<128xi32, #tpu.memory_space<hbm>>) dst(%arg10 : memref<128xi32, #tpu.memory_space<vmem>>)
      } else {
      }
      %dma_start3A = arith.constant 0 : i32
      %dma_start3A_102 = arith.constant 0 : i32
      %dma_start3A_103 = tpu.memref_slice %arg4[%dma_start3A, %dma_start3A_102] : memref<10000x128xf32, #tpu.memory_space<hbm>> -> memref<10000x128xf32, #tpu.memory_space<hbm>>
      tpu.enqueue_indirect_dma source(%dma_start3A_103 : memref<10000x128xf32, #tpu.memory_space<hbm>>) target(%arg13 : memref<128x128xf32, #tpu.memory_space<vmem>>) offsets(%arg9 : memref<128xi32, #tpu.memory_space<vmem>>) semaphore(%arg15 : memref<!tpu.dma_semaphore, #tpu.memory_space<semaphore_mem>>)
      %dma_wait3A = arith.constant 0 : i32
      %dma_wait3A_104 = arith.constant 0 : i32
      %dma_wait3A_105 = tpu.memref_slice %arg4[%dma_wait3A, %dma_wait3A_104] : memref<10000x128xf32, #tpu.memory_space<hbm>> -> memref<10000x128xf32, #tpu.memory_space<hbm>>
      tpu.wait_indirect_dma semaphore(%arg15 : memref<!tpu.dma_semaphore, #tpu.memory_space<semaphore_mem>>) src(%dma_wait3A_105 : memref<10000x128xf32, #tpu.memory_space<hbm>>) dst(%arg13 : memref<128x128xf32, #tpu.memory_space<vmem>>)
      "tpu.region"() ({
        %run_scoped3A = tpu.sem_alloc : memref<!tpu.dma_semaphore, #tpu.memory_space<semaphore_mem>>
        %dma_start3A_128 = arith.constant 0 : i32
        %dma_start3A_129 = arith.constant 0 : i32
        %dma_start3A_130 = tpu.memref_slice %arg14[%dma_start3A_128, %dma_start3A_129] : memref<10112x128xf32, #tpu.memory_space<vmem_shared>> -> memref<10112x128xf32, #tpu.memory_space<vmem_shared>>
        tpu.enqueue_indirect_dma source(%arg13 : memref<128x128xf32, #tpu.memory_space<vmem>>) target(%dma_start3A_130 : memref<10112x128xf32, #tpu.memory_space<vmem_shared>>) offsets(%arg10 : memref<128xi32, #tpu.memory_space<vmem>>) semaphore(%run_scoped3A : memref<!tpu.dma_semaphore, #tpu.memory_space<semaphore_mem>>) {add = true}
        %dma_wait3A_131 = arith.constant 0 : i32
        %dma_wait3A_132 = arith.constant 0 : i32
        %dma_wait3A_133 = tpu.memref_slice %arg14[%dma_wait3A_131, %dma_wait3A_132] : memref<10112x128xf32, #tpu.memory_space<vmem_shared>> -> memref<10112x128xf32, #tpu.memory_space<vmem_shared>>
        tpu.wait_indirect_dma semaphore(%run_scoped3A : memref<!tpu.dma_semaphore, #tpu.memory_space<semaphore_mem>>) src(%arg13 : memref<128x128xf32, #tpu.memory_space<vmem>>) dst(%dma_wait3A_133 : memref<10112x128xf32, #tpu.memory_space<vmem_shared>>)
        tpu.yield
      }) : () -> ()
      %lt3A_106 = arith.constant 38 : i32
      %lt3A_107 = arith.cmpi slt, %scan3A_90, %lt3A_106 : i32
      %convert_element_type3A_108 = arith.extui %lt3A_107 : i1 to i32
      %cond3A_109 = arith.constant 0 : i32
      %cond3A_110 = arith.cmpi ne, %convert_element_type3A_108, %cond3A_109 : i32
      scf.if %cond3A_110 {
        %add3A_128 = arith.constant 2 : i32
        %add3A_129 = arith.addi %mul3A_93, %add3A_128 : i32
        %mul3A_130 = arith.constant 32 : i32
        %mul3A_131 = arith.muli %add3A_129, %mul3A_130 : i32
        %add3A_132 = arith.addi %add3A, %mul3A_131 : i32
        %mul3A_133 = arith.constant 128 : i32
        %mul3A_134 = arith.muli %add3A_132, %mul3A_133 : i32
        %dma_start3A_135 = tpu.memref_slice %arg2[%mul3A_134] : memref<320000xi32, #tpu.memory_space<hbm>> -> memref<128xi32, #tpu.memory_space<hbm>>
        %dma_start3A_136 = tpu.memref_slice %arg2[%mul3A_134] : memref<320000xi32, #tpu.memory_space<hbm>> -> memref<128xi32, #tpu.memory_space<hbm>>
        tpu.enqueue_dma source(%dma_start3A_136 : memref<128xi32, #tpu.memory_space<hbm>>) target(%arg9 : memref<128xi32, #tpu.memory_space<vmem>>) target_semaphore(%arg16 : memref<!tpu.dma_semaphore, #tpu.memory_space<semaphore_mem>>)
        %add3A_137 = arith.constant 2 : i32
        %add3A_138 = arith.addi %mul3A_93, %add3A_137 : i32
        %mul3A_139 = arith.constant 32 : i32
        %mul3A_140 = arith.muli %add3A_138, %mul3A_139 : i32
        %add3A_141 = arith.addi %add3A, %mul3A_140 : i32
        %mul3A_142 = arith.constant 128 : i32
        %mul3A_143 = arith.muli %add3A_141, %mul3A_142 : i32
        %dma_start3A_144 = tpu.memref_slice %arg3[%mul3A_143] : memref<320000xi32, #tpu.memory_space<hbm>> -> memref<128xi32, #tpu.memory_space<hbm>>
        %dma_start3A_145 = tpu.memref_slice %arg3[%mul3A_143] : memref<320000xi32, #tpu.memory_space<hbm>> -> memref<128xi32, #tpu.memory_space<hbm>>
        tpu.enqueue_dma source(%dma_start3A_145 : memref<128xi32, #tpu.memory_space<hbm>>) target(%arg10 : memref<128xi32, #tpu.memory_space<vmem>>) target_semaphore(%arg16 : memref<!tpu.dma_semaphore, #tpu.memory_space<semaphore_mem>>)
      } else {
      }
      %gt3A_111 = arith.constant 0 : i32
      %gt3A_112 = arith.cmpi sgt, %scan3A_90, %gt3A_111 : i32
      %convert_element_type3A_113 = arith.extui %gt3A_112 : i1 to i32
      %cond3A_114 = arith.constant 0 : i32
      %cond3A_115 = arith.cmpi ne, %convert_element_type3A_113, %cond3A_114 : i32
      scf.if %cond3A_115 {
        %mul3A_128 = arith.constant 32 : i32
        %mul3A_129 = arith.muli %add3A_97, %mul3A_128 : i32
        %add3A_130 = arith.addi %add3A, %mul3A_129 : i32
        %mul3A_131 = arith.constant 128 : i32
        %mul3A_132 = arith.muli %add3A_130, %mul3A_131 : i32
        %dma_wait3A_133 = tpu.memref_slice %arg2[%mul3A_132] : memref<320000xi32, #tpu.memory_space<hbm>> -> memref<128xi32, #tpu.memory_space<hbm>>
        %dma_wait3A_134 = tpu.memref_slice %arg2[%mul3A_132] : memref<320000xi32, #tpu.memory_space<hbm>> -> memref<128xi32, #tpu.memory_space<hbm>>
        tpu.wait_dma2 semaphore(%arg17 : memref<!tpu.dma_semaphore, #tpu.memory_space<semaphore_mem>>) src(%dma_wait3A_134 : memref<128xi32, #tpu.memory_space<hbm>>) dst(%arg11 : memref<128xi32, #tpu.memory_space<vmem>>)
        %mul3A_135 = arith.constant 32 : i32
        %mul3A_136 = arith.muli %add3A_97, %mul3A_135 : i32
        %add3A_137 = arith.addi %add3A, %mul3A_136 : i32
        %mul3A_138 = arith.constant 128 : i32
        %mul3A_139 = arith.muli %add3A_137, %mul3A_138 : i32
        %dma_wait3A_140 = tpu.memref_slice %arg3[%mul3A_139] : memref<320000xi32, #tpu.memory_space<hbm>> -> memref<128xi32, #tpu.memory_space<hbm>>
        %dma_wait3A_141 = tpu.memref_slice %arg3[%mul3A_139] : memref<320000xi32, #tpu.memory_space<hbm>> -> memref<128xi32, #tpu.memory_space<hbm>>
        tpu.wait_dma2 semaphore(%arg17 : memref<!tpu.dma_semaphore, #tpu.memory_space<semaphore_mem>>) src(%dma_wait3A_141 : memref<128xi32, #tpu.memory_space<hbm>>) dst(%arg12 : memref<128xi32, #tpu.memory_space<vmem>>)
      } else {
      }
      %dma_start3A_116 = arith.constant 0 : i32
      %dma_start3A_117 = arith.constant 0 : i32
      %dma_start3A_118 = tpu.memref_slice %arg4[%dma_start3A_116, %dma_start3A_117] : memref<10000x128xf32, #tpu.memory_space<hbm>> -> memref<10000x128xf32, #tpu.memory_space<hbm>>
      tpu.enqueue_indirect_dma source(%dma_start3A_118 : memref<10000x128xf32, #tpu.memory_space<hbm>>) target(%arg13 : memref<128x128xf32, #tpu.memory_space<vmem>>) offsets(%arg11 : memref<128xi32, #tpu.memory_space<vmem>>) semaphore(%arg15 : memref<!tpu.dma_semaphore, #tpu.memory_space<semaphore_mem>>)
      %dma_wait3A_119 = arith.constant 0 : i32
      %dma_wait3A_120 = arith.constant 0 : i32
      %dma_wait3A_121 = tpu.memref_slice %arg4[%dma_wait3A_119, %dma_wait3A_120] : memref<10000x128xf32, #tpu.memory_space<hbm>> -> memref<10000x128xf32, #tpu.memory_space<hbm>>
      tpu.wait_indirect_dma semaphore(%arg15 : memref<!tpu.dma_semaphore, #tpu.memory_space<semaphore_mem>>) src(%dma_wait3A_121 : memref<10000x128xf32, #tpu.memory_space<hbm>>) dst(%arg13 : memref<128x128xf32, #tpu.memory_space<vmem>>)
      "tpu.region"() ({
        %run_scoped3A = tpu.sem_alloc : memref<!tpu.dma_semaphore, #tpu.memory_space<semaphore_mem>>
        %dma_start3A_128 = arith.constant 0 : i32
        %dma_start3A_129 = arith.constant 0 : i32
        %dma_start3A_130 = tpu.memref_slice %arg14[%dma_start3A_128, %dma_start3A_129] : memref<10112x128xf32, #tpu.memory_space<vmem_shared>> -> memref<10112x128xf32, #tpu.memory_space<vmem_shared>>
        tpu.enqueue_indirect_dma source(%arg13 : memref<128x128xf32, #tpu.memory_space<vmem>>) target(%dma_start3A_130 : memref<10112x128xf32, #tpu.memory_space<vmem_shared>>) offsets(%arg12 : memref<128xi32, #tpu.memory_space<vmem>>) semaphore(%run_scoped3A : memref<!tpu.dma_semaphore, #tpu.memory_space<semaphore_mem>>) {add = true}
        %dma_wait3A_131 = arith.constant 0 : i32
        %dma_wait3A_132 = arith.constant 0 : i32
        %dma_wait3A_133 = tpu.memref_slice %arg14[%dma_wait3A_131, %dma_wait3A_132] : memref<10112x128xf32, #tpu.memory_space<vmem_shared>> -> memref<10112x128xf32, #tpu.memory_space<vmem_shared>>
        tpu.wait_indirect_dma semaphore(%run_scoped3A : memref<!tpu.dma_semaphore, #tpu.memory_space<semaphore_mem>>) src(%arg13 : memref<128x128xf32, #tpu.memory_space<vmem>>) dst(%dma_wait3A_133 : memref<10112x128xf32, #tpu.memory_space<vmem_shared>>)
        tpu.yield
      }) : () -> ()
      %lt3A_122 = arith.constant 38 : i32
      %lt3A_123 = arith.cmpi slt, %scan3A_90, %lt3A_122 : i32
      %convert_element_type3A_124 = arith.extui %lt3A_123 : i1 to i32
      %cond3A_125 = arith.constant 0 : i32
      %cond3A_126 = arith.cmpi ne, %convert_element_type3A_124, %cond3A_125 : i32
      scf.if %cond3A_126 {
        %add3A_128 = arith.constant 2 : i32
        %add3A_129 = arith.addi %add3A_97, %add3A_128 : i32
        %mul3A_130 = arith.constant 32 : i32
        %mul3A_131 = arith.muli %add3A_129, %mul3A_130 : i32
        %add3A_132 = arith.addi %add3A, %mul3A_131 : i32
        %mul3A_133 = arith.constant 128 : i32
        %mul3A_134 = arith.muli %add3A_132, %mul3A_133 : i32
        %dma_start3A_135 = tpu.memref_slice %arg2[%mul3A_134] : memref<320000xi32, #tpu.memory_space<hbm>> -> memref<128xi32, #tpu.memory_space<hbm>>
        %dma_start3A_136 = tpu.memref_slice %arg2[%mul3A_134] : memref<320000xi32, #tpu.memory_space<hbm>> -> memref<128xi32, #tpu.memory_space<hbm>>
        tpu.enqueue_dma source(%dma_start3A_136 : memref<128xi32, #tpu.memory_space<hbm>>) target(%arg11 : memref<128xi32, #tpu.memory_space<vmem>>) target_semaphore(%arg17 : memref<!tpu.dma_semaphore, #tpu.memory_space<semaphore_mem>>)
        %add3A_137 = arith.constant 2 : i32
        %add3A_138 = arith.addi %add3A_97, %add3A_137 : i32
        %mul3A_139 = arith.constant 32 : i32
        %mul3A_140 = arith.muli %add3A_138, %mul3A_139 : i32
        %add3A_141 = arith.addi %add3A, %mul3A_140 : i32
        %mul3A_142 = arith.constant 128 : i32
        %mul3A_143 = arith.muli %add3A_141, %mul3A_142 : i32
        %dma_start3A_144 = tpu.memref_slice %arg3[%mul3A_143] : memref<320000xi32, #tpu.memory_space<hbm>> -> memref<128xi32, #tpu.memory_space<hbm>>
        %dma_start3A_145 = tpu.memref_slice %arg3[%mul3A_143] : memref<320000xi32, #tpu.memory_space<hbm>> -> memref<128xi32, #tpu.memory_space<hbm>>
        tpu.enqueue_dma source(%dma_start3A_145 : memref<128xi32, #tpu.memory_space<hbm>>) target(%arg12 : memref<128xi32, #tpu.memory_space<vmem>>) target_semaphore(%arg17 : memref<!tpu.dma_semaphore, #tpu.memory_space<semaphore_mem>>)
      } else {
      }
      %scan3A_127 = arith.constant 0 : i32
      scf.yield %scan3A_127 : i32
    }
    %scan3A_34 = arith.constant 39 : i32
    %lt3A = arith.constant 4 : i32
    %lt3A_35 = arith.cmpi slt, %add3A, %lt3A : i32
    %convert_element_type3A = arith.extui %lt3A_35 : i1 to i32
    %cond3A = arith.constant 0 : i32
    %cond3A_36 = arith.cmpi ne, %convert_element_type3A, %cond3A : i32
    scf.if %cond3A_36 {
      %add3A_90 = arith.constant 2496 : i32
      %add3A_91 = arith.addi %add3A_90, %add3A : i32
      %mul3A_92 = arith.constant 128 : i32
      %mul3A_93 = arith.muli %add3A_91, %mul3A_92 : i32
      "tpu.region"() ({
        %run_scoped3A = tpu.sem_alloc : memref<!tpu.dma_semaphore, #tpu.memory_space<semaphore_mem>>
        %dma_start3A_98 = tpu.memref_slice %arg2[%mul3A_93] : memref<320000xi32, #tpu.memory_space<hbm>> -> memref<128xi32, #tpu.memory_space<hbm>>
        %dma_start3A_99 = tpu.memref_slice %arg2[%mul3A_93] : memref<320000xi32, #tpu.memory_space<hbm>> -> memref<128xi32, #tpu.memory_space<hbm>>
        tpu.enqueue_dma source(%dma_start3A_99 : memref<128xi32, #tpu.memory_space<hbm>>) target(%arg9 : memref<128xi32, #tpu.memory_space<vmem>>) target_semaphore(%run_scoped3A : memref<!tpu.dma_semaphore, #tpu.memory_space<semaphore_mem>>)
        %dma_wait3A_100 = tpu.memref_slice %arg2[%mul3A_93] : memref<320000xi32, #tpu.memory_space<hbm>> -> memref<128xi32, #tpu.memory_space<hbm>>
        %dma_wait3A_101 = tpu.memref_slice %arg2[%mul3A_93] : memref<320000xi32, #tpu.memory_space<hbm>> -> memref<128xi32, #tpu.memory_space<hbm>>
        tpu.wait_dma2 semaphore(%run_scoped3A : memref<!tpu.dma_semaphore, #tpu.memory_space<semaphore_mem>>) src(%dma_wait3A_101 : memref<128xi32, #tpu.memory_space<hbm>>) dst(%arg9 : memref<128xi32, #tpu.memory_space<vmem>>)
        tpu.yield
      }) : () -> ()
      "tpu.region"() ({
        %run_scoped3A = tpu.sem_alloc : memref<!tpu.dma_semaphore, #tpu.memory_space<semaphore_mem>>
        %dma_start3A_98 = tpu.memref_slice %arg3[%mul3A_93] : memref<320000xi32, #tpu.memory_space<hbm>> -> memref<128xi32, #tpu.memory_space<hbm>>
        %dma_start3A_99 = tpu.memref_slice %arg3[%mul3A_93] : memref<320000xi32, #tpu.memory_space<hbm>> -> memref<128xi32, #tpu.memory_space<hbm>>
        tpu.enqueue_dma source(%dma_start3A_99 : memref<128xi32, #tpu.memory_space<hbm>>) target(%arg10 : memref<128xi32, #tpu.memory_space<vmem>>) target_semaphore(%run_scoped3A : memref<!tpu.dma_semaphore, #tpu.memory_space<semaphore_mem>>)
        %dma_wait3A_100 = tpu.memref_slice %arg3[%mul3A_93] : memref<320000xi32, #tpu.memory_space<hbm>> -> memref<128xi32, #tpu.memory_space<hbm>>
        %dma_wait3A_101 = tpu.memref_slice %arg3[%mul3A_93] : memref<320000xi32, #tpu.memory_space<hbm>> -> memref<128xi32, #tpu.memory_space<hbm>>
        tpu.wait_dma2 semaphore(%run_scoped3A : memref<!tpu.dma_semaphore, #tpu.memory_space<semaphore_mem>>) src(%dma_wait3A_101 : memref<128xi32, #tpu.memory_space<hbm>>) dst(%arg10 : memref<128xi32, #tpu.memory_space<vmem>>)
        tpu.yield
      }) : () -> ()
      %dma_start3A = arith.constant 0 : i32
      %dma_start3A_94 = arith.constant 0 : i32
      %dma_start3A_95 = tpu.memref_slice %arg4[%dma_start3A, %dma_start3A_94] : memref<10000x128xf32, #tpu.memory_space<hbm>> -> memref<10000x128xf32, #tpu.memory_space<hbm>>
      tpu.enqueue_indirect_dma source(%dma_start3A_95 : memref<10000x128xf32, #tpu.memory_space<hbm>>) target(%arg13 : memref<128x128xf32, #tpu.memory_space<vmem>>) offsets(%arg9 : memref<128xi32, #tpu.memory_space<vmem>>) semaphore(%arg15 : memref<!tpu.dma_semaphore, #tpu.memory_space<semaphore_mem>>)
      %dma_wait3A = arith.constant 0 : i32
      %dma_wait3A_96 = arith.constant 0 : i32
      %dma_wait3A_97 = tpu.memref_slice %arg4[%dma_wait3A, %dma_wait3A_96] : memref<10000x128xf32, #tpu.memory_space<hbm>> -> memref<10000x128xf32, #tpu.memory_space<hbm>>
      tpu.wait_indirect_dma semaphore(%arg15 : memref<!tpu.dma_semaphore, #tpu.memory_space<semaphore_mem>>) src(%dma_wait3A_97 : memref<10000x128xf32, #tpu.memory_space<hbm>>) dst(%arg13 : memref<128x128xf32, #tpu.memory_space<vmem>>)
      "tpu.region"() ({
        %run_scoped3A = tpu.sem_alloc : memref<!tpu.dma_semaphore, #tpu.memory_space<semaphore_mem>>
        %dma_start3A_98 = arith.constant 0 : i32
        %dma_start3A_99 = arith.constant 0 : i32
        %dma_start3A_100 = tpu.memref_slice %arg14[%dma_start3A_98, %dma_start3A_99] : memref<10112x128xf32, #tpu.memory_space<vmem_shared>> -> memref<10112x128xf32, #tpu.memory_space<vmem_shared>>
        tpu.enqueue_indirect_dma source(%arg13 : memref<128x128xf32, #tpu.memory_space<vmem>>) target(%dma_start3A_100 : memref<10112x128xf32, #tpu.memory_space<vmem_shared>>) offsets(%arg10 : memref<128xi32, #tpu.memory_space<vmem>>) semaphore(%run_scoped3A : memref<!tpu.dma_semaphore, #tpu.memory_space<semaphore_mem>>) {add = true}
        %dma_wait3A_101 = arith.constant 0 : i32
        %dma_wait3A_102 = arith.constant 0 : i32
        %dma_wait3A_103 = tpu.memref_slice %arg14[%dma_wait3A_101, %dma_wait3A_102] : memref<10112x128xf32, #tpu.memory_space<vmem_shared>> -> memref<10112x128xf32, #tpu.memory_space<vmem_shared>>
        tpu.wait_indirect_dma semaphore(%run_scoped3A : memref<!tpu.dma_semaphore, #tpu.memory_space<semaphore_mem>>) src(%arg13 : memref<128x128xf32, #tpu.memory_space<vmem>>) dst(%dma_wait3A_103 : memref<10112x128xf32, #tpu.memory_space<vmem_shared>>)
        tpu.yield
      }) : () -> ()
    } else {
    }
    %barrier3A_37 = arith.constant 0 : index
    tpu.barrier barrier_id(%barrier3A_37)
    %add3A_38 = arith.constant 0 : i32
    %add3A_39 = arith.addi %mul3A_2, %add3A_38 : i32
    "tpu.region"() ({
      %run_scoped3A = tpu.sem_alloc : memref<!tpu.dma_semaphore, #tpu.memory_space<semaphore_mem>>
      %dma_start3A = arith.constant 0 : i32
      %dma_start3A_90 = tpu.memref_slice %arg7[%arg0, %add3A_39, %dma_start3A] : memref<2x10112x128xf32, #tpu.memory_space<hbm>> -> memref<1x128x128xf32, #tpu.memory_space<hbm>>
      %dma_start3A_91 = tpu.memref_squeeze %dma_start3A_90 : memref<1x128x128xf32, #tpu.memory_space<hbm>> -> memref<128x128xf32, #tpu.memory_space<hbm>>
      %dma_start3A_92 = arith.constant 0 : i32
      %dma_start3A_93 = tpu.memref_slice %arg14[%add3A_39, %dma_start3A_92] : memref<10112x128xf32, #tpu.memory_space<vmem_shared>> -> memref<128x128xf32, #tpu.memory_space<vmem_shared>>
      tpu.enqueue_dma source(%dma_start3A_93 : memref<128x128xf32, #tpu.memory_space<vmem_shared>>) target(%dma_start3A_91 : memref<128x128xf32, #tpu.memory_space<hbm>>) target_semaphore(%run_scoped3A : memref<!tpu.dma_semaphore, #tpu.memory_space<semaphore_mem>>)
      %dma_wait3A = arith.constant 0 : i32
      %dma_wait3A_94 = tpu.memref_slice %arg7[%arg0, %add3A_39, %dma_wait3A] : memref<2x10112x128xf32, #tpu.memory_space<hbm>> -> memref<1x128x128xf32, #tpu.memory_space<hbm>>
      %dma_wait3A_95 = tpu.memref_squeeze %dma_wait3A_94 : memref<1x128x128xf32, #tpu.memory_space<hbm>> -> memref<128x128xf32, #tpu.memory_space<hbm>>
      %dma_wait3A_96 = arith.constant 0 : i32
      %dma_wait3A_97 = tpu.memref_slice %arg14[%add3A_39, %dma_wait3A_96] : memref<10112x128xf32, #tpu.memory_space<vmem_shared>> -> memref<128x128xf32, #tpu.memory_space<vmem_shared>>
      tpu.wait_dma2 semaphore(%run_scoped3A : memref<!tpu.dma_semaphore, #tpu.memory_space<semaphore_mem>>) src(%dma_wait3A_97 : memref<128x128xf32, #tpu.memory_space<vmem_shared>>) dst(%dma_wait3A_95 : memref<128x128xf32, #tpu.memory_space<hbm>>)
      tpu.yield
    }) : () -> ()
    %add3A_40 = arith.constant 128 : i32
    %add3A_41 = arith.addi %mul3A_2, %add3A_40 : i32
    "tpu.region"() ({
      %run_scoped3A = tpu.sem_alloc : memref<!tpu.dma_semaphore, #tpu.memory_space<semaphore_mem>>
      %dma_start3A = arith.constant 0 : i32
      %dma_start3A_90 = tpu.memref_slice %arg7[%arg0, %add3A_41, %dma_start3A] : memref<2x10112x128xf32, #tpu.memory_space<hbm>> -> memref<1x128x128xf32, #tpu.memory_space<hbm>>
      %dma_start3A_91 = tpu.memref_squeeze %dma_start3A_90 : memref<1x128x128xf32, #tpu.memory_space<hbm>> -> memref<128x128xf32, #tpu.memory_space<hbm>>
      %dma_start3A_92 = arith.constant 0 : i32
      %dma_start3A_93 = tpu.memref_slice %arg14[%add3A_41, %dma_start3A_92] : memref<10112x128xf32, #tpu.memory_space<vmem_shared>> -> memref<128x128xf32, #tpu.memory_space<vmem_shared>>
      tpu.enqueue_dma source(%dma_start3A_93 : memref<128x128xf32, #tpu.memory_space<vmem_shared>>) target(%dma_start3A_91 : memref<128x128xf32, #tpu.memory_space<hbm>>) target_semaphore(%run_scoped3A : memref<!tpu.dma_semaphore, #tpu.memory_space<semaphore_mem>>)
      %dma_wait3A = arith.constant 0 : i32
      %dma_wait3A_94 = tpu.memref_slice %arg7[%arg0, %add3A_41, %dma_wait3A] : memref<2x10112x128xf32, #tpu.memory_space<hbm>> -> memref<1x128x128xf32, #tpu.memory_space<hbm>>
      %dma_wait3A_95 = tpu.memref_squeeze %dma_wait3A_94 : memref<1x128x128xf32, #tpu.memory_space<hbm>> -> memref<128x128xf32, #tpu.memory_space<hbm>>
      %dma_wait3A_96 = arith.constant 0 : i32
      %dma_wait3A_97 = tpu.memref_slice %arg14[%add3A_41, %dma_wait3A_96] : memref<10112x128xf32, #tpu.memory_space<vmem_shared>> -> memref<128x128xf32, #tpu.memory_space<vmem_shared>>
      tpu.wait_dma2 semaphore(%run_scoped3A : memref<!tpu.dma_semaphore, #tpu.memory_space<semaphore_mem>>) src(%dma_wait3A_97 : memref<128x128xf32, #tpu.memory_space<vmem_shared>>) dst(%dma_wait3A_95 : memref<128x128xf32, #tpu.memory_space<hbm>>)
      tpu.yield
    }) : () -> ()
    %add3A_42 = arith.constant 256 : i32
    %add3A_43 = arith.addi %mul3A_2, %add3A_42 : i32
    "tpu.region"() ({
      %run_scoped3A = tpu.sem_alloc : memref<!tpu.dma_semaphore, #tpu.memory_space<semaphore_mem>>
      %dma_start3A = arith.constant 0 : i32
      %dma_start3A_90 = tpu.memref_slice %arg7[%arg0, %add3A_43, %dma_start3A] : memref<2x10112x128xf32, #tpu.memory_space<hbm>> -> memref<1x128x128xf32, #tpu.memory_space<hbm>>
      %dma_start3A_91 = tpu.memref_squeeze %dma_start3A_90 : memref<1x128x128xf32, #tpu.memory_space<hbm>> -> memref<128x128xf32, #tpu.memory_space<hbm>>
      %dma_start3A_92 = arith.constant 0 : i32
      %dma_start3A_93 = tpu.memref_slice %arg14[%add3A_43, %dma_start3A_92] : memref<10112x128xf32, #tpu.memory_space<vmem_shared>> -> memref<128x128xf32, #tpu.memory_space<vmem_shared>>
      tpu.enqueue_dma source(%dma_start3A_93 : memref<128x128xf32, #tpu.memory_space<vmem_shared>>) target(%dma_start3A_91 : memref<128x128xf32, #tpu.memory_space<hbm>>) target_semaphore(%run_scoped3A : memref<!tpu.dma_semaphore, #tpu.memory_space<semaphore_mem>>)
      %dma_wait3A = arith.constant 0 : i32
      %dma_wait3A_94 = tpu.memref_slice %arg7[%arg0, %add3A_43, %dma_wait3A] : memref<2x10112x128xf32, #tpu.memory_space<hbm>> -> memref<1x128x128xf32, #tpu.memory_space<hbm>>
      %dma_wait3A_95 = tpu.memref_squeeze %dma_wait3A_94 : memref<1x128x128xf32, #tpu.memory_space<hbm>> -> memref<128x128xf32, #tpu.memory_space<hbm>>
      %dma_wait3A_96 = arith.constant 0 : i32
      %dma_wait3A_97 = tpu.memref_slice %arg14[%add3A_43, %dma_wait3A_96] : memref<10112x128xf32, #tpu.memory_space<vmem_shared>> -> memref<128x128xf32, #tpu.memory_space<vmem_shared>>
      tpu.wait_dma2 semaphore(%run_scoped3A : memref<!tpu.dma_semaphore, #tpu.memory_space<semaphore_mem>>) src(%dma_wait3A_97 : memref<128x128xf32, #tpu.memory_space<vmem_shared>>) dst(%dma_wait3A_95 : memref<128x128xf32, #tpu.memory_space<hbm>>)
      tpu.yield
    }) : () -> ()
    %add3A_44 = arith.constant 384 : i32
    %add3A_45 = arith.addi %mul3A_2, %add3A_44 : i32
    "tpu.region"() ({
      %run_scoped3A = tpu.sem_alloc : memref<!tpu.dma_semaphore, #tpu.memory_space<semaphore_mem>>
      %dma_start3A = arith.constant 0 : i32
      %dma_start3A_90 = tpu.memref_slice %arg7[%arg0, %add3A_45, %dma_start3A] : memref<2x10112x128xf32, #tpu.memory_space<hbm>> -> memref<1x128x128xf32, #tpu.memory_space<hbm>>
      %dma_start3A_91 = tpu.memref_squeeze %dma_start3A_90 : memref<1x128x128xf32, #tpu.memory_space<hbm>> -> memref<128x128xf32, #tpu.memory_space<hbm>>
      %dma_start3A_92 = arith.constant 0 : i32
      %dma_start3A_93 = tpu.memref_slice %arg14[%add3A_45, %dma_start3A_92] : memref<10112x128xf32, #tpu.memory_space<vmem_shared>> -> memref<128x128xf32, #tpu.memory_space<vmem_shared>>
      tpu.enqueue_dma source(%dma_start3A_93 : memref<128x128xf32, #tpu.memory_space<vmem_shared>>) target(%dma_start3A_91 : memref<128x128xf32, #tpu.memory_space<hbm>>) target_semaphore(%run_scoped3A : memref<!tpu.dma_semaphore, #tpu.memory_space<semaphore_mem>>)
      %dma_wait3A = arith.constant 0 : i32
      %dma_wait3A_94 = tpu.memref_slice %arg7[%arg0, %add3A_45, %dma_wait3A] : memref<2x10112x128xf32, #tpu.memory_space<hbm>> -> memref<1x128x128xf32, #tpu.memory_space<hbm>>
      %dma_wait3A_95 = tpu.memref_squeeze %dma_wait3A_94 : memref<1x128x128xf32, #tpu.memory_space<hbm>> -> memref<128x128xf32, #tpu.memory_space<hbm>>
      %dma_wait3A_96 = arith.constant 0 : i32
      %dma_wait3A_97 = tpu.memref_slice %arg14[%add3A_45, %dma_wait3A_96] : memref<10112x128xf32, #tpu.memory_space<vmem_shared>> -> memref<128x128xf32, #tpu.memory_space<vmem_shared>>
      tpu.wait_dma2 semaphore(%run_scoped3A : memref<!tpu.dma_semaphore, #tpu.memory_space<semaphore_mem>>) src(%dma_wait3A_97 : memref<128x128xf32, #tpu.memory_space<vmem_shared>>) dst(%dma_wait3A_95 : memref<128x128xf32, #tpu.memory_space<hbm>>)
      tpu.yield
    }) : () -> ()
    %add3A_46 = arith.constant 512 : i32
    %add3A_47 = arith.addi %mul3A_2, %add3A_46 : i32
    "tpu.region"() ({
      %run_scoped3A = tpu.sem_alloc : memref<!tpu.dma_semaphore, #tpu.memory_space<semaphore_mem>>
      %dma_start3A = arith.constant 0 : i32
      %dma_start3A_90 = tpu.memref_slice %arg7[%arg0, %add3A_47, %dma_start3A] : memref<2x10112x128xf32, #tpu.memory_space<hbm>> -> memref<1x120x128xf32, #tpu.memory_space<hbm>>
      %dma_start3A_91 = tpu.memref_squeeze %dma_start3A_90 : memref<1x120x128xf32, #tpu.memory_space<hbm>> -> memref<120x128xf32, #tpu.memory_space<hbm>>
      %dma_start3A_92 = arith.constant 0 : i32
      %dma_start3A_93 = tpu.memref_slice %arg14[%add3A_47, %dma_start3A_92] : memref<10112x128xf32, #tpu.memory_space<vmem_shared>> -> memref<120x128xf32, #tpu.memory_space<vmem_shared>>
      tpu.enqueue_dma source(%dma_start3A_93 : memref<120x128xf32, #tpu.memory_space<vmem_shared>>) target(%dma_start3A_91 : memref<120x128xf32, #tpu.memory_space<hbm>>) target_semaphore(%run_scoped3A : memref<!tpu.dma_semaphore, #tpu.memory_space<semaphore_mem>>)
      %dma_wait3A = arith.constant 0 : i32
      %dma_wait3A_94 = tpu.memref_slice %arg7[%arg0, %add3A_47, %dma_wait3A] : memref<2x10112x128xf32, #tpu.memory_space<hbm>> -> memref<1x120x128xf32, #tpu.memory_space<hbm>>
      %dma_wait3A_95 = tpu.memref_squeeze %dma_wait3A_94 : memref<1x120x128xf32, #tpu.memory_space<hbm>> -> memref<120x128xf32, #tpu.memory_space<hbm>>
      %dma_wait3A_96 = arith.constant 0 : i32
      %dma_wait3A_97 = tpu.memref_slice %arg14[%add3A_47, %dma_wait3A_96] : memref<10112x128xf32, #tpu.memory_space<vmem_shared>> -> memref<120x128xf32, #tpu.memory_space<vmem_shared>>
      tpu.wait_dma2 semaphore(%run_scoped3A : memref<!tpu.dma_semaphore, #tpu.memory_space<semaphore_mem>>) src(%dma_wait3A_97 : memref<120x128xf32, #tpu.memory_space<vmem_shared>>) dst(%dma_wait3A_95 : memref<120x128xf32, #tpu.memory_space<hbm>>)
      tpu.yield
    }) : () -> ()
    %add3A_48 = arith.constant 0 : i32
    %add3A_49 = arith.addi %mul3A_2, %add3A_48 : i32
    "tpu.region"() ({
      %run_scoped3A = tpu.sem_alloc : memref<!tpu.dma_semaphore, #tpu.memory_space<semaphore_mem>>
      %dma_start3A = arith.constant 0 : i32
      %dma_start3A_90 = tpu.memref_slice %arg14[%add3A_49, %dma_start3A] : memref<10112x128xf32, #tpu.memory_space<vmem_shared>> -> memref<128x128xf32, #tpu.memory_space<vmem_shared>>
      tpu.enqueue_dma source(%arg5 : memref<128x128xf32, #tpu.memory_space<hbm>>) target(%dma_start3A_90 : memref<128x128xf32, #tpu.memory_space<vmem_shared>>) target_semaphore(%run_scoped3A : memref<!tpu.dma_semaphore, #tpu.memory_space<semaphore_mem>>)
      %dma_wait3A = arith.constant 0 : i32
      %dma_wait3A_91 = tpu.memref_slice %arg14[%add3A_49, %dma_wait3A] : memref<10112x128xf32, #tpu.memory_space<vmem_shared>> -> memref<128x128xf32, #tpu.memory_space<vmem_shared>>
      tpu.wait_dma2 semaphore(%run_scoped3A : memref<!tpu.dma_semaphore, #tpu.memory_space<semaphore_mem>>) src(%arg5 : memref<128x128xf32, #tpu.memory_space<hbm>>) dst(%dma_wait3A_91 : memref<128x128xf32, #tpu.memory_space<vmem_shared>>)
      tpu.yield
    }) : () -> ()
    %add3A_50 = arith.constant 128 : i32
    %add3A_51 = arith.addi %mul3A_2, %add3A_50 : i32
    "tpu.region"() ({
      %run_scoped3A = tpu.sem_alloc : memref<!tpu.dma_semaphore, #tpu.memory_space<semaphore_mem>>
      %dma_start3A = arith.constant 0 : i32
      %dma_start3A_90 = tpu.memref_slice %arg14[%add3A_51, %dma_start3A] : memref<10112x128xf32, #tpu.memory_space<vmem_shared>> -> memref<128x128xf32, #tpu.memory_space<vmem_shared>>
      tpu.enqueue_dma source(%arg5 : memref<128x128xf32, #tpu.memory_space<hbm>>) target(%dma_start3A_90 : memref<128x128xf32, #tpu.memory_space<vmem_shared>>) target_semaphore(%run_scoped3A : memref<!tpu.dma_semaphore, #tpu.memory_space<semaphore_mem>>)
      %dma_wait3A = arith.constant 0 : i32
      %dma_wait3A_91 = tpu.memref_slice %arg14[%add3A_51, %dma_wait3A] : memref<10112x128xf32, #tpu.memory_space<vmem_shared>> -> memref<128x128xf32, #tpu.memory_space<vmem_shared>>
      tpu.wait_dma2 semaphore(%run_scoped3A : memref<!tpu.dma_semaphore, #tpu.memory_space<semaphore_mem>>) src(%arg5 : memref<128x128xf32, #tpu.memory_space<hbm>>) dst(%dma_wait3A_91 : memref<128x128xf32, #tpu.memory_space<vmem_shared>>)
      tpu.yield
    }) : () -> ()
    %add3A_52 = arith.constant 256 : i32
    %add3A_53 = arith.addi %mul3A_2, %add3A_52 : i32
    "tpu.region"() ({
      %run_scoped3A = tpu.sem_alloc : memref<!tpu.dma_semaphore, #tpu.memory_space<semaphore_mem>>
      %dma_start3A = arith.constant 0 : i32
      %dma_start3A_90 = tpu.memref_slice %arg14[%add3A_53, %dma_start3A] : memref<10112x128xf32, #tpu.memory_space<vmem_shared>> -> memref<128x128xf32, #tpu.memory_space<vmem_shared>>
      tpu.enqueue_dma source(%arg5 : memref<128x128xf32, #tpu.memory_space<hbm>>) target(%dma_start3A_90 : memref<128x128xf32, #tpu.memory_space<vmem_shared>>) target_semaphore(%run_scoped3A : memref<!tpu.dma_semaphore, #tpu.memory_space<semaphore_mem>>)
      %dma_wait3A = arith.constant 0 : i32
      %dma_wait3A_91 = tpu.memref_slice %arg14[%add3A_53, %dma_wait3A] : memref<10112x128xf32, #tpu.memory_space<vmem_shared>> -> memref<128x128xf32, #tpu.memory_space<vmem_shared>>
      tpu.wait_dma2 semaphore(%run_scoped3A : memref<!tpu.dma_semaphore, #tpu.memory_space<semaphore_mem>>) src(%arg5 : memref<128x128xf32, #tpu.memory_space<hbm>>) dst(%dma_wait3A_91 : memref<128x128xf32, #tpu.memory_space<vmem_shared>>)
      tpu.yield
    }) : () -> ()
    %add3A_54 = arith.constant 384 : i32
    %add3A_55 = arith.addi %mul3A_2, %add3A_54 : i32
    "tpu.region"() ({
      %run_scoped3A = tpu.sem_alloc : memref<!tpu.dma_semaphore, #tpu.memory_space<semaphore_mem>>
      %dma_start3A = arith.constant 0 : i32
      %dma_start3A_90 = tpu.memref_slice %arg14[%add3A_55, %dma_start3A] : memref<10112x128xf32, #tpu.memory_space<vmem_shared>> -> memref<128x128xf32, #tpu.memory_space<vmem_shared>>
      tpu.enqueue_dma source(%arg5 : memref<128x128xf32, #tpu.memory_space<hbm>>) target(%dma_start3A_90 : memref<128x128xf32, #tpu.memory_space<vmem_shared>>) target_semaphore(%run_scoped3A : memref<!tpu.dma_semaphore, #tpu.memory_space<semaphore_mem>>)
      %dma_wait3A = arith.constant 0 : i32
      %dma_wait3A_91 = tpu.memref_slice %arg14[%add3A_55, %dma_wait3A] : memref<10112x128xf32, #tpu.memory_space<vmem_shared>> -> memref<128x128xf32, #tpu.memory_space<vmem_shared>>
      tpu.wait_dma2 semaphore(%run_scoped3A : memref<!tpu.dma_semaphore, #tpu.memory_space<semaphore_mem>>) src(%arg5 : memref<128x128xf32, #tpu.memory_space<hbm>>) dst(%dma_wait3A_91 : memref<128x128xf32, #tpu.memory_space<vmem_shared>>)
      tpu.yield
    }) : () -> ()
    %add3A_56 = arith.constant 512 : i32
    %add3A_57 = arith.addi %mul3A_2, %add3A_56 : i32
    "tpu.region"() ({
      %run_scoped3A = tpu.sem_alloc : memref<!tpu.dma_semaphore, #tpu.memory_space<semaphore_mem>>
      %dma_start3A = arith.constant 0 : i32
      %dma_start3A_90 = tpu.memref_slice %arg14[%add3A_57, %dma_start3A] : memref<10112x128xf32, #tpu.memory_space<vmem_shared>> -> memref<120x128xf32, #tpu.memory_space<vmem_shared>>
      %dma_start3A_91 = arith.constant 0 : i32
      %dma_start3A_92 = arith.constant 0 : i32
      %dma_start3A_93 = tpu.memref_slice %arg5[%dma_start3A_91, %dma_start3A_92] : memref<128x128xf32, #tpu.memory_space<hbm>> -> memref<120x128xf32, #tpu.memory_space<hbm>>
      tpu.enqueue_dma source(%dma_start3A_93 : memref<120x128xf32, #tpu.memory_space<hbm>>) target(%dma_start3A_90 : memref<120x128xf32, #tpu.memory_space<vmem_shared>>) target_semaphore(%run_scoped3A : memref<!tpu.dma_semaphore, #tpu.memory_space<semaphore_mem>>)
      %dma_wait3A = arith.constant 0 : i32
      %dma_wait3A_94 = tpu.memref_slice %arg14[%add3A_57, %dma_wait3A] : memref<10112x128xf32, #tpu.memory_space<vmem_shared>> -> memref<120x128xf32, #tpu.memory_space<vmem_shared>>
      %dma_wait3A_95 = arith.constant 0 : i32
      %dma_wait3A_96 = arith.constant 0 : i32
      %dma_wait3A_97 = tpu.memref_slice %arg5[%dma_wait3A_95, %dma_wait3A_96] : memref<128x128xf32, #tpu.memory_space<hbm>> -> memref<120x128xf32, #tpu.memory_space<hbm>>
      tpu.wait_dma2 semaphore(%run_scoped3A : memref<!tpu.dma_semaphore, #tpu.memory_space<semaphore_mem>>) src(%dma_wait3A_97 : memref<120x128xf32, #tpu.memory_space<hbm>>) dst(%dma_wait3A_94 : memref<120x128xf32, #tpu.memory_space<vmem_shared>>)
      tpu.yield
    }) : () -> ()
    "tpu.region"() ({
      %run_scoped3A = tpu.sem_alloc : memref<!tpu.dma_semaphore, #tpu.memory_space<semaphore_mem>>
      tpu.enqueue_dma source(%arg6 : memref<128x128xf32, #tpu.memory_space<hbm>>) target(%arg13 : memref<128x128xf32, #tpu.memory_space<vmem>>) target_semaphore(%run_scoped3A : memref<!tpu.dma_semaphore, #tpu.memory_space<semaphore_mem>>)
      tpu.wait_dma2 semaphore(%run_scoped3A : memref<!tpu.dma_semaphore, #tpu.memory_space<semaphore_mem>>) src(%arg6 : memref<128x128xf32, #tpu.memory_space<hbm>>) dst(%arg13 : memref<128x128xf32, #tpu.memory_space<vmem>>)
      tpu.yield
    }) : () -> ()
    %barrier3A_58 = arith.constant 0 : index
    tpu.barrier barrier_id(%barrier3A_58)
    %add3A_59 = arith.constant 0 : i32
    %add3A_60 = arith.addi %add3A, %add3A_59 : i32
    %mul3A_61 = arith.constant 128 : i32
    %mul3A_62 = arith.muli %add3A_60, %mul3A_61 : i32
    "tpu.region"() ({
      %run_scoped3A = tpu.sem_alloc : memref<!tpu.dma_semaphore, #tpu.memory_space<semaphore_mem>>
      %dma_start3A = tpu.memref_slice %arg3[%mul3A_62] : memref<320000xi32, #tpu.memory_space<hbm>> -> memref<128xi32, #tpu.memory_space<hbm>>
      %dma_start3A_90 = tpu.memref_slice %arg3[%mul3A_62] : memref<320000xi32, #tpu.memory_space<hbm>> -> memref<128xi32, #tpu.memory_space<hbm>>
      tpu.enqueue_dma source(%dma_start3A_90 : memref<128xi32, #tpu.memory_space<hbm>>) target(%arg10 : memref<128xi32, #tpu.memory_space<vmem>>) target_semaphore(%run_scoped3A : memref<!tpu.dma_semaphore, #tpu.memory_space<semaphore_mem>>)
      %dma_wait3A = tpu.memref_slice %arg3[%mul3A_62] : memref<320000xi32, #tpu.memory_space<hbm>> -> memref<128xi32, #tpu.memory_space<hbm>>
      %dma_wait3A_91 = tpu.memref_slice %arg3[%mul3A_62] : memref<320000xi32, #tpu.memory_space<hbm>> -> memref<128xi32, #tpu.memory_space<hbm>>
      tpu.wait_dma2 semaphore(%run_scoped3A : memref<!tpu.dma_semaphore, #tpu.memory_space<semaphore_mem>>) src(%dma_wait3A_91 : memref<128xi32, #tpu.memory_space<hbm>>) dst(%arg10 : memref<128xi32, #tpu.memory_space<vmem>>)
      tpu.yield
    }) : () -> ()
    %add3A_63 = arith.constant 32 : i32
    %add3A_64 = arith.addi %add3A, %add3A_63 : i32
    %mul3A_65 = arith.constant 128 : i32
    %mul3A_66 = arith.muli %add3A_64, %mul3A_65 : i32
    "tpu.region"() ({
      %run_scoped3A = tpu.sem_alloc : memref<!tpu.dma_semaphore, #tpu.memory_space<semaphore_mem>>
      %dma_start3A = tpu.memref_slice %arg3[%mul3A_66] : memref<320000xi32, #tpu.memory_space<hbm>> -> memref<128xi32, #tpu.memory_space<hbm>>
      %dma_start3A_90 = tpu.memref_slice %arg3[%mul3A_66] : memref<320000xi32, #tpu.memory_space<hbm>> -> memref<128xi32, #tpu.memory_space<hbm>>
      tpu.enqueue_dma source(%dma_start3A_90 : memref<128xi32, #tpu.memory_space<hbm>>) target(%arg12 : memref<128xi32, #tpu.memory_space<vmem>>) target_semaphore(%run_scoped3A : memref<!tpu.dma_semaphore, #tpu.memory_space<semaphore_mem>>)
      %dma_wait3A = tpu.memref_slice %arg3[%mul3A_66] : memref<320000xi32, #tpu.memory_space<hbm>> -> memref<128xi32, #tpu.memory_space<hbm>>
      %dma_wait3A_91 = tpu.memref_slice %arg3[%mul3A_66] : memref<320000xi32, #tpu.memory_space<hbm>> -> memref<128xi32, #tpu.memory_space<hbm>>
      tpu.wait_dma2 semaphore(%run_scoped3A : memref<!tpu.dma_semaphore, #tpu.memory_space<semaphore_mem>>) src(%dma_wait3A_91 : memref<128xi32, #tpu.memory_space<hbm>>) dst(%arg12 : memref<128xi32, #tpu.memory_space<vmem>>)
      tpu.yield
    }) : () -> ()
    %scan3A_67 = arith.constant 0 : i32
    %scan3A_68 = arith.constant 0 : i32
    %scan3A_69 = arith.constant 39 : i32
    %scan3A_70 = arith.addi %scan3A_68, %scan3A_69 : i32
    %scan3A_71 = arith.constant 1 : i32
    %scan3A_72 = scf.for %scan3A_90 = %scan3A_68 to %scan3A_70 step %scan3A_71 iter_args(%scan3A_91 = %scan3A_67) -> (i32)  : i32 {
      %mul3A_92 = arith.constant 2 : i32
      %mul3A_93 = arith.muli %mul3A_92, %scan3A_90 : i32
      %mul3A_94 = arith.constant 2 : i32
      %mul3A_95 = arith.muli %mul3A_94, %scan3A_90 : i32
      %add3A_96 = arith.constant 1 : i32
      %add3A_97 = arith.addi %mul3A_95, %add3A_96 : i32
      %gt3A = arith.constant 0 : i32
      %gt3A_98 = arith.cmpi sgt, %scan3A_90, %gt3A : i32
      %convert_element_type3A_99 = arith.extui %gt3A_98 : i1 to i32
      %cond3A_100 = arith.constant 0 : i32
      %cond3A_101 = arith.cmpi ne, %convert_element_type3A_99, %cond3A_100 : i32
      scf.if %cond3A_101 {
        %mul3A_118 = arith.constant 32 : i32
        %mul3A_119 = arith.muli %mul3A_93, %mul3A_118 : i32
        %add3A_120 = arith.addi %add3A, %mul3A_119 : i32
        %mul3A_121 = arith.constant 128 : i32
        %mul3A_122 = arith.muli %add3A_120, %mul3A_121 : i32
        %dma_wait3A = tpu.memref_slice %arg3[%mul3A_122] : memref<320000xi32, #tpu.memory_space<hbm>> -> memref<128xi32, #tpu.memory_space<hbm>>
        %dma_wait3A_123 = tpu.memref_slice %arg3[%mul3A_122] : memref<320000xi32, #tpu.memory_space<hbm>> -> memref<128xi32, #tpu.memory_space<hbm>>
        tpu.wait_dma2 semaphore(%arg16 : memref<!tpu.dma_semaphore, #tpu.memory_space<semaphore_mem>>) src(%dma_wait3A_123 : memref<128xi32, #tpu.memory_space<hbm>>) dst(%arg10 : memref<128xi32, #tpu.memory_space<vmem>>)
      } else {
      }
      "tpu.region"() ({
        %run_scoped3A = tpu.sem_alloc : memref<!tpu.dma_semaphore, #tpu.memory_space<semaphore_mem>>
        %dma_start3A = arith.constant 0 : i32
        %dma_start3A_118 = arith.constant 0 : i32
        %dma_start3A_119 = tpu.memref_slice %arg14[%dma_start3A, %dma_start3A_118] : memref<10112x128xf32, #tpu.memory_space<vmem_shared>> -> memref<10112x128xf32, #tpu.memory_space<vmem_shared>>
        tpu.enqueue_indirect_dma source(%arg13 : memref<128x128xf32, #tpu.memory_space<vmem>>) target(%dma_start3A_119 : memref<10112x128xf32, #tpu.memory_space<vmem_shared>>) offsets(%arg10 : memref<128xi32, #tpu.memory_space<vmem>>) semaphore(%run_scoped3A : memref<!tpu.dma_semaphore, #tpu.memory_space<semaphore_mem>>) {add = true}
        %dma_wait3A = arith.constant 0 : i32
        %dma_wait3A_120 = arith.constant 0 : i32
        %dma_wait3A_121 = tpu.memref_slice %arg14[%dma_wait3A, %dma_wait3A_120] : memref<10112x128xf32, #tpu.memory_space<vmem_shared>> -> memref<10112x128xf32, #tpu.memory_space<vmem_shared>>
        tpu.wait_indirect_dma semaphore(%run_scoped3A : memref<!tpu.dma_semaphore, #tpu.memory_space<semaphore_mem>>) src(%arg13 : memref<128x128xf32, #tpu.memory_space<vmem>>) dst(%dma_wait3A_121 : memref<10112x128xf32, #tpu.memory_space<vmem_shared>>)
        tpu.yield
      }) : () -> ()
      %lt3A_102 = arith.constant 38 : i32
      %lt3A_103 = arith.cmpi slt, %scan3A_90, %lt3A_102 : i32
      %convert_element_type3A_104 = arith.extui %lt3A_103 : i1 to i32
      %cond3A_105 = arith.constant 0 : i32
      %cond3A_106 = arith.cmpi ne, %convert_element_type3A_104, %cond3A_105 : i32
      scf.if %cond3A_106 {
        %add3A_118 = arith.constant 2 : i32
        %add3A_119 = arith.addi %mul3A_93, %add3A_118 : i32
        %mul3A_120 = arith.constant 32 : i32
        %mul3A_121 = arith.muli %add3A_119, %mul3A_120 : i32
        %add3A_122 = arith.addi %add3A, %mul3A_121 : i32
        %mul3A_123 = arith.constant 128 : i32
        %mul3A_124 = arith.muli %add3A_122, %mul3A_123 : i32
        %dma_start3A = tpu.memref_slice %arg3[%mul3A_124] : memref<320000xi32, #tpu.memory_space<hbm>> -> memref<128xi32, #tpu.memory_space<hbm>>
        %dma_start3A_125 = tpu.memref_slice %arg3[%mul3A_124] : memref<320000xi32, #tpu.memory_space<hbm>> -> memref<128xi32, #tpu.memory_space<hbm>>
        tpu.enqueue_dma source(%dma_start3A_125 : memref<128xi32, #tpu.memory_space<hbm>>) target(%arg10 : memref<128xi32, #tpu.memory_space<vmem>>) target_semaphore(%arg16 : memref<!tpu.dma_semaphore, #tpu.memory_space<semaphore_mem>>)
      } else {
      }
      %gt3A_107 = arith.constant 0 : i32
      %gt3A_108 = arith.cmpi sgt, %scan3A_90, %gt3A_107 : i32
      %convert_element_type3A_109 = arith.extui %gt3A_108 : i1 to i32
      %cond3A_110 = arith.constant 0 : i32
      %cond3A_111 = arith.cmpi ne, %convert_element_type3A_109, %cond3A_110 : i32
      scf.if %cond3A_111 {
        %mul3A_118 = arith.constant 32 : i32
        %mul3A_119 = arith.muli %add3A_97, %mul3A_118 : i32
        %add3A_120 = arith.addi %add3A, %mul3A_119 : i32
        %mul3A_121 = arith.constant 128 : i32
        %mul3A_122 = arith.muli %add3A_120, %mul3A_121 : i32
        %dma_wait3A = tpu.memref_slice %arg3[%mul3A_122] : memref<320000xi32, #tpu.memory_space<hbm>> -> memref<128xi32, #tpu.memory_space<hbm>>
        %dma_wait3A_123 = tpu.memref_slice %arg3[%mul3A_122] : memref<320000xi32, #tpu.memory_space<hbm>> -> memref<128xi32, #tpu.memory_space<hbm>>
        tpu.wait_dma2 semaphore(%arg17 : memref<!tpu.dma_semaphore, #tpu.memory_space<semaphore_mem>>) src(%dma_wait3A_123 : memref<128xi32, #tpu.memory_space<hbm>>) dst(%arg12 : memref<128xi32, #tpu.memory_space<vmem>>)
      } else {
      }
      "tpu.region"() ({
        %run_scoped3A = tpu.sem_alloc : memref<!tpu.dma_semaphore, #tpu.memory_space<semaphore_mem>>
        %dma_start3A = arith.constant 0 : i32
        %dma_start3A_118 = arith.constant 0 : i32
        %dma_start3A_119 = tpu.memref_slice %arg14[%dma_start3A, %dma_start3A_118] : memref<10112x128xf32, #tpu.memory_space<vmem_shared>> -> memref<10112x128xf32, #tpu.memory_space<vmem_shared>>
        tpu.enqueue_indirect_dma source(%arg13 : memref<128x128xf32, #tpu.memory_space<vmem>>) target(%dma_start3A_119 : memref<10112x128xf32, #tpu.memory_space<vmem_shared>>) offsets(%arg12 : memref<128xi32, #tpu.memory_space<vmem>>) semaphore(%run_scoped3A : memref<!tpu.dma_semaphore, #tpu.memory_space<semaphore_mem>>) {add = true}
        %dma_wait3A = arith.constant 0 : i32
        %dma_wait3A_120 = arith.constant 0 : i32
        %dma_wait3A_121 = tpu.memref_slice %arg14[%dma_wait3A, %dma_wait3A_120] : memref<10112x128xf32, #tpu.memory_space<vmem_shared>> -> memref<10112x128xf32, #tpu.memory_space<vmem_shared>>
        tpu.wait_indirect_dma semaphore(%run_scoped3A : memref<!tpu.dma_semaphore, #tpu.memory_space<semaphore_mem>>) src(%arg13 : memref<128x128xf32, #tpu.memory_space<vmem>>) dst(%dma_wait3A_121 : memref<10112x128xf32, #tpu.memory_space<vmem_shared>>)
        tpu.yield
      }) : () -> ()
      %lt3A_112 = arith.constant 38 : i32
      %lt3A_113 = arith.cmpi slt, %scan3A_90, %lt3A_112 : i32
      %convert_element_type3A_114 = arith.extui %lt3A_113 : i1 to i32
      %cond3A_115 = arith.constant 0 : i32
      %cond3A_116 = arith.cmpi ne, %convert_element_type3A_114, %cond3A_115 : i32
      scf.if %cond3A_116 {
        %add3A_118 = arith.constant 2 : i32
        %add3A_119 = arith.addi %add3A_97, %add3A_118 : i32
        %mul3A_120 = arith.constant 32 : i32
        %mul3A_121 = arith.muli %add3A_119, %mul3A_120 : i32
        %add3A_122 = arith.addi %add3A, %mul3A_121 : i32
        %mul3A_123 = arith.constant 128 : i32
        %mul3A_124 = arith.muli %add3A_122, %mul3A_123 : i32
        %dma_start3A = tpu.memref_slice %arg3[%mul3A_124] : memref<320000xi32, #tpu.memory_space<hbm>> -> memref<128xi32, #tpu.memory_space<hbm>>
        %dma_start3A_125 = tpu.memref_slice %arg3[%mul3A_124] : memref<320000xi32, #tpu.memory_space<hbm>> -> memref<128xi32, #tpu.memory_space<hbm>>
        tpu.enqueue_dma source(%dma_start3A_125 : memref<128xi32, #tpu.memory_space<hbm>>) target(%arg12 : memref<128xi32, #tpu.memory_space<vmem>>) target_semaphore(%arg17 : memref<!tpu.dma_semaphore, #tpu.memory_space<semaphore_mem>>)
      } else {
      }
      %scan3A_117 = arith.constant 0 : i32
      scf.yield %scan3A_117 : i32
    }
    %scan3A_73 = arith.constant 39 : i32
    %lt3A_74 = arith.constant 4 : i32
    %lt3A_75 = arith.cmpi slt, %add3A, %lt3A_74 : i32
    %convert_element_type3A_76 = arith.extui %lt3A_75 : i1 to i32
    %cond3A_77 = arith.constant 0 : i32
    %cond3A_78 = arith.cmpi ne, %convert_element_type3A_76, %cond3A_77 : i32
    scf.if %cond3A_78 {
      %add3A_90 = arith.constant 2496 : i32
      %add3A_91 = arith.addi %add3A_90, %add3A : i32
      %mul3A_92 = arith.constant 128 : i32
      %mul3A_93 = arith.muli %add3A_91, %mul3A_92 : i32
      "tpu.region"() ({
        %run_scoped3A = tpu.sem_alloc : memref<!tpu.dma_semaphore, #tpu.memory_space<semaphore_mem>>
        %dma_start3A = tpu.memref_slice %arg3[%mul3A_93] : memref<320000xi32, #tpu.memory_space<hbm>> -> memref<128xi32, #tpu.memory_space<hbm>>
        %dma_start3A_94 = tpu.memref_slice %arg3[%mul3A_93] : memref<320000xi32, #tpu.memory_space<hbm>> -> memref<128xi32, #tpu.memory_space<hbm>>
        tpu.enqueue_dma source(%dma_start3A_94 : memref<128xi32, #tpu.memory_space<hbm>>) target(%arg10 : memref<128xi32, #tpu.memory_space<vmem>>) target_semaphore(%run_scoped3A : memref<!tpu.dma_semaphore, #tpu.memory_space<semaphore_mem>>)
        %dma_wait3A = tpu.memref_slice %arg3[%mul3A_93] : memref<320000xi32, #tpu.memory_space<hbm>> -> memref<128xi32, #tpu.memory_space<hbm>>
        %dma_wait3A_95 = tpu.memref_slice %arg3[%mul3A_93] : memref<320000xi32, #tpu.memory_space<hbm>> -> memref<128xi32, #tpu.memory_space<hbm>>
        tpu.wait_dma2 semaphore(%run_scoped3A : memref<!tpu.dma_semaphore, #tpu.memory_space<semaphore_mem>>) src(%dma_wait3A_95 : memref<128xi32, #tpu.memory_space<hbm>>) dst(%arg10 : memref<128xi32, #tpu.memory_space<vmem>>)
        tpu.yield
      }) : () -> ()
      "tpu.region"() ({
        %run_scoped3A = tpu.sem_alloc : memref<!tpu.dma_semaphore, #tpu.memory_space<semaphore_mem>>
        %dma_start3A = arith.constant 0 : i32
        %dma_start3A_94 = arith.constant 0 : i32
        %dma_start3A_95 = tpu.memref_slice %arg14[%dma_start3A, %dma_start3A_94] : memref<10112x128xf32, #tpu.memory_space<vmem_shared>> -> memref<10112x128xf32, #tpu.memory_space<vmem_shared>>
        tpu.enqueue_indirect_dma source(%arg13 : memref<128x128xf32, #tpu.memory_space<vmem>>) target(%dma_start3A_95 : memref<10112x128xf32, #tpu.memory_space<vmem_shared>>) offsets(%arg10 : memref<128xi32, #tpu.memory_space<vmem>>) semaphore(%run_scoped3A : memref<!tpu.dma_semaphore, #tpu.memory_space<semaphore_mem>>) {add = true}
        %dma_wait3A = arith.constant 0 : i32
        %dma_wait3A_96 = arith.constant 0 : i32
        %dma_wait3A_97 = tpu.memref_slice %arg14[%dma_wait3A, %dma_wait3A_96] : memref<10112x128xf32, #tpu.memory_space<vmem_shared>> -> memref<10112x128xf32, #tpu.memory_space<vmem_shared>>
        tpu.wait_indirect_dma semaphore(%run_scoped3A : memref<!tpu.dma_semaphore, #tpu.memory_space<semaphore_mem>>) src(%arg13 : memref<128x128xf32, #tpu.memory_space<vmem>>) dst(%dma_wait3A_97 : memref<10112x128xf32, #tpu.memory_space<vmem_shared>>)
        tpu.yield
      }) : () -> ()
    } else {
    }
    %barrier3A_79 = arith.constant 0 : index
    tpu.barrier barrier_id(%barrier3A_79)
    %add3A_80 = arith.constant 0 : i32
    %add3A_81 = arith.addi %mul3A_2, %add3A_80 : i32
    "tpu.region"() ({
      %run_scoped3A = tpu.sem_alloc : memref<!tpu.dma_semaphore, #tpu.memory_space<semaphore_mem>>
      %dma_start3A = arith.constant 0 : i32
      %dma_start3A_90 = tpu.memref_slice %arg8[%arg0, %add3A_81, %dma_start3A] : memref<2x10112x128xf32, #tpu.memory_space<hbm>> -> memref<1x128x128xf32, #tpu.memory_space<hbm>>
      %dma_start3A_91 = tpu.memref_squeeze %dma_start3A_90 : memref<1x128x128xf32, #tpu.memory_space<hbm>> -> memref<128x128xf32, #tpu.memory_space<hbm>>
      %dma_start3A_92 = arith.constant 0 : i32
      %dma_start3A_93 = tpu.memref_slice %arg14[%add3A_81, %dma_start3A_92] : memref<10112x128xf32, #tpu.memory_space<vmem_shared>> -> memref<128x128xf32, #tpu.memory_space<vmem_shared>>
      tpu.enqueue_dma source(%dma_start3A_93 : memref<128x128xf32, #tpu.memory_space<vmem_shared>>) target(%dma_start3A_91 : memref<128x128xf32, #tpu.memory_space<hbm>>) target_semaphore(%run_scoped3A : memref<!tpu.dma_semaphore, #tpu.memory_space<semaphore_mem>>)
      %dma_wait3A = arith.constant 0 : i32
      %dma_wait3A_94 = tpu.memref_slice %arg8[%arg0, %add3A_81, %dma_wait3A] : memref<2x10112x128xf32, #tpu.memory_space<hbm>> -> memref<1x128x128xf32, #tpu.memory_space<hbm>>
      %dma_wait3A_95 = tpu.memref_squeeze %dma_wait3A_94 : memref<1x128x128xf32, #tpu.memory_space<hbm>> -> memref<128x128xf32, #tpu.memory_space<hbm>>
      %dma_wait3A_96 = arith.constant 0 : i32
      %dma_wait3A_97 = tpu.memref_slice %arg14[%add3A_81, %dma_wait3A_96] : memref<10112x128xf32, #tpu.memory_space<vmem_shared>> -> memref<128x128xf32, #tpu.memory_space<vmem_shared>>
      tpu.wait_dma2 semaphore(%run_scoped3A : memref<!tpu.dma_semaphore, #tpu.memory_space<semaphore_mem>>) src(%dma_wait3A_97 : memref<128x128xf32, #tpu.memory_space<vmem_shared>>) dst(%dma_wait3A_95 : memref<128x128xf32, #tpu.memory_space<hbm>>)
      tpu.yield
    }) : () -> ()
    %add3A_82 = arith.constant 128 : i32
    %add3A_83 = arith.addi %mul3A_2, %add3A_82 : i32
    "tpu.region"() ({
      %run_scoped3A = tpu.sem_alloc : memref<!tpu.dma_semaphore, #tpu.memory_space<semaphore_mem>>
      %dma_start3A = arith.constant 0 : i32
      %dma_start3A_90 = tpu.memref_slice %arg8[%arg0, %add3A_83, %dma_start3A] : memref<2x10112x128xf32, #tpu.memory_space<hbm>> -> memref<1x128x128xf32, #tpu.memory_space<hbm>>
      %dma_start3A_91 = tpu.memref_squeeze %dma_start3A_90 : memref<1x128x128xf32, #tpu.memory_space<hbm>> -> memref<128x128xf32, #tpu.memory_space<hbm>>
      %dma_start3A_92 = arith.constant 0 : i32
      %dma_start3A_93 = tpu.memref_slice %arg14[%add3A_83, %dma_start3A_92] : memref<10112x128xf32, #tpu.memory_space<vmem_shared>> -> memref<128x128xf32, #tpu.memory_space<vmem_shared>>
      tpu.enqueue_dma source(%dma_start3A_93 : memref<128x128xf32, #tpu.memory_space<vmem_shared>>) target(%dma_start3A_91 : memref<128x128xf32, #tpu.memory_space<hbm>>) target_semaphore(%run_scoped3A : memref<!tpu.dma_semaphore, #tpu.memory_space<semaphore_mem>>)
      %dma_wait3A = arith.constant 0 : i32
      %dma_wait3A_94 = tpu.memref_slice %arg8[%arg0, %add3A_83, %dma_wait3A] : memref<2x10112x128xf32, #tpu.memory_space<hbm>> -> memref<1x128x128xf32, #tpu.memory_space<hbm>>
      %dma_wait3A_95 = tpu.memref_squeeze %dma_wait3A_94 : memref<1x128x128xf32, #tpu.memory_space<hbm>> -> memref<128x128xf32, #tpu.memory_space<hbm>>
      %dma_wait3A_96 = arith.constant 0 : i32
      %dma_wait3A_97 = tpu.memref_slice %arg14[%add3A_83, %dma_wait3A_96] : memref<10112x128xf32, #tpu.memory_space<vmem_shared>> -> memref<128x128xf32, #tpu.memory_space<vmem_shared>>
      tpu.wait_dma2 semaphore(%run_scoped3A : memref<!tpu.dma_semaphore, #tpu.memory_space<semaphore_mem>>) src(%dma_wait3A_97 : memref<128x128xf32, #tpu.memory_space<vmem_shared>>) dst(%dma_wait3A_95 : memref<128x128xf32, #tpu.memory_space<hbm>>)
      tpu.yield
    }) : () -> ()
    %add3A_84 = arith.constant 256 : i32
    %add3A_85 = arith.addi %mul3A_2, %add3A_84 : i32
    "tpu.region"() ({
      %run_scoped3A = tpu.sem_alloc : memref<!tpu.dma_semaphore, #tpu.memory_space<semaphore_mem>>
      %dma_start3A = arith.constant 0 : i32
      %dma_start3A_90 = tpu.memref_slice %arg8[%arg0, %add3A_85, %dma_start3A] : memref<2x10112x128xf32, #tpu.memory_space<hbm>> -> memref<1x128x128xf32, #tpu.memory_space<hbm>>
      %dma_start3A_91 = tpu.memref_squeeze %dma_start3A_90 : memref<1x128x128xf32, #tpu.memory_space<hbm>> -> memref<128x128xf32, #tpu.memory_space<hbm>>
      %dma_start3A_92 = arith.constant 0 : i32
      %dma_start3A_93 = tpu.memref_slice %arg14[%add3A_85, %dma_start3A_92] : memref<10112x128xf32, #tpu.memory_space<vmem_shared>> -> memref<128x128xf32, #tpu.memory_space<vmem_shared>>
      tpu.enqueue_dma source(%dma_start3A_93 : memref<128x128xf32, #tpu.memory_space<vmem_shared>>) target(%dma_start3A_91 : memref<128x128xf32, #tpu.memory_space<hbm>>) target_semaphore(%run_scoped3A : memref<!tpu.dma_semaphore, #tpu.memory_space<semaphore_mem>>)
      %dma_wait3A = arith.constant 0 : i32
      %dma_wait3A_94 = tpu.memref_slice %arg8[%arg0, %add3A_85, %dma_wait3A] : memref<2x10112x128xf32, #tpu.memory_space<hbm>> -> memref<1x128x128xf32, #tpu.memory_space<hbm>>
      %dma_wait3A_95 = tpu.memref_squeeze %dma_wait3A_94 : memref<1x128x128xf32, #tpu.memory_space<hbm>> -> memref<128x128xf32, #tpu.memory_space<hbm>>
      %dma_wait3A_96 = arith.constant 0 : i32
      %dma_wait3A_97 = tpu.memref_slice %arg14[%add3A_85, %dma_wait3A_96] : memref<10112x128xf32, #tpu.memory_space<vmem_shared>> -> memref<128x128xf32, #tpu.memory_space<vmem_shared>>
      tpu.wait_dma2 semaphore(%run_scoped3A : memref<!tpu.dma_semaphore, #tpu.memory_space<semaphore_mem>>) src(%dma_wait3A_97 : memref<128x128xf32, #tpu.memory_space<vmem_shared>>) dst(%dma_wait3A_95 : memref<128x128xf32, #tpu.memory_space<hbm>>)
      tpu.yield
    }) : () -> ()
    %add3A_86 = arith.constant 384 : i32
    %add3A_87 = arith.addi %mul3A_2, %add3A_86 : i32
    "tpu.region"() ({
      %run_scoped3A = tpu.sem_alloc : memref<!tpu.dma_semaphore, #tpu.memory_space<semaphore_mem>>
      %dma_start3A = arith.constant 0 : i32
      %dma_start3A_90 = tpu.memref_slice %arg8[%arg0, %add3A_87, %dma_start3A] : memref<2x10112x128xf32, #tpu.memory_space<hbm>> -> memref<1x128x128xf32, #tpu.memory_space<hbm>>
      %dma_start3A_91 = tpu.memref_squeeze %dma_start3A_90 : memref<1x128x128xf32, #tpu.memory_space<hbm>> -> memref<128x128xf32, #tpu.memory_space<hbm>>
      %dma_start3A_92 = arith.constant 0 : i32
      %dma_start3A_93 = tpu.memref_slice %arg14[%add3A_87, %dma_start3A_92] : memref<10112x128xf32, #tpu.memory_space<vmem_shared>> -> memref<128x128xf32, #tpu.memory_space<vmem_shared>>
      tpu.enqueue_dma source(%dma_start3A_93 : memref<128x128xf32, #tpu.memory_space<vmem_shared>>) target(%dma_start3A_91 : memref<128x128xf32, #tpu.memory_space<hbm>>) target_semaphore(%run_scoped3A : memref<!tpu.dma_semaphore, #tpu.memory_space<semaphore_mem>>)
      %dma_wait3A = arith.constant 0 : i32
      %dma_wait3A_94 = tpu.memref_slice %arg8[%arg0, %add3A_87, %dma_wait3A] : memref<2x10112x128xf32, #tpu.memory_space<hbm>> -> memref<1x128x128xf32, #tpu.memory_space<hbm>>
      %dma_wait3A_95 = tpu.memref_squeeze %dma_wait3A_94 : memref<1x128x128xf32, #tpu.memory_space<hbm>> -> memref<128x128xf32, #tpu.memory_space<hbm>>
      %dma_wait3A_96 = arith.constant 0 : i32
      %dma_wait3A_97 = tpu.memref_slice %arg14[%add3A_87, %dma_wait3A_96] : memref<10112x128xf32, #tpu.memory_space<vmem_shared>> -> memref<128x128xf32, #tpu.memory_space<vmem_shared>>
      tpu.wait_dma2 semaphore(%run_scoped3A : memref<!tpu.dma_semaphore, #tpu.memory_space<semaphore_mem>>) src(%dma_wait3A_97 : memref<128x128xf32, #tpu.memory_space<vmem_shared>>) dst(%dma_wait3A_95 : memref<128x128xf32, #tpu.memory_space<hbm>>)
      tpu.yield
    }) : () -> ()
    %add3A_88 = arith.constant 512 : i32
    %add3A_89 = arith.addi %mul3A_2, %add3A_88 : i32
    "tpu.region"() ({
      %run_scoped3A = tpu.sem_alloc : memref<!tpu.dma_semaphore, #tpu.memory_space<semaphore_mem>>
      %dma_start3A = arith.constant 0 : i32
      %dma_start3A_90 = tpu.memref_slice %arg8[%arg0, %add3A_89, %dma_start3A] : memref<2x10112x128xf32, #tpu.memory_space<hbm>> -> memref<1x120x128xf32, #tpu.memory_space<hbm>>
      %dma_start3A_91 = tpu.memref_squeeze %dma_start3A_90 : memref<1x120x128xf32, #tpu.memory_space<hbm>> -> memref<120x128xf32, #tpu.memory_space<hbm>>
      %dma_start3A_92 = arith.constant 0 : i32
      %dma_start3A_93 = tpu.memref_slice %arg14[%add3A_89, %dma_start3A_92] : memref<10112x128xf32, #tpu.memory_space<vmem_shared>> -> memref<120x128xf32, #tpu.memory_space<vmem_shared>>
      tpu.enqueue_dma source(%dma_start3A_93 : memref<120x128xf32, #tpu.memory_space<vmem_shared>>) target(%dma_start3A_91 : memref<120x128xf32, #tpu.memory_space<hbm>>) target_semaphore(%run_scoped3A : memref<!tpu.dma_semaphore, #tpu.memory_space<semaphore_mem>>)
      %dma_wait3A = arith.constant 0 : i32
      %dma_wait3A_94 = tpu.memref_slice %arg8[%arg0, %add3A_89, %dma_wait3A] : memref<2x10112x128xf32, #tpu.memory_space<hbm>> -> memref<1x120x128xf32, #tpu.memory_space<hbm>>
      %dma_wait3A_95 = tpu.memref_squeeze %dma_wait3A_94 : memref<1x120x128xf32, #tpu.memory_space<hbm>> -> memref<120x128xf32, #tpu.memory_space<hbm>>
      %dma_wait3A_96 = arith.constant 0 : i32
      %dma_wait3A_97 = tpu.memref_slice %arg14[%add3A_89, %dma_wait3A_96] : memref<10112x128xf32, #tpu.memory_space<vmem_shared>> -> memref<120x128xf32, #tpu.memory_space<vmem_shared>>
      tpu.wait_dma2 semaphore(%run_scoped3A : memref<!tpu.dma_semaphore, #tpu.memory_space<semaphore_mem>>) src(%dma_wait3A_97 : memref<120x128xf32, #tpu.memory_space<vmem_shared>>) dst(%dma_wait3A_95 : memref<120x128xf32, #tpu.memory_space<hbm>>)
      tpu.yield
    }) : () -> ()
    return
  }
}

module attributes {stable_mosaic.version = 14 : i64} {
  func.func @_dense_body(%arg0: memref<10000x128xf32, #tpu.memory_space<vmem>>, %arg1: memref<2x10112x128xf32, #tpu.memory_space<vmem>>, %arg2: memref<2x10112x128xf32, #tpu.memory_space<vmem>>, %arg3: memref<128x128xf32, #tpu.memory_space<vmem>>, %arg4: memref<128x128xf32, #tpu.memory_space<vmem>>, %arg5: memref<128x128xf32, #tpu.memory_space<vmem>>, %arg6: memref<1x128xf32, #tpu.memory_space<vmem>>, %arg7: memref<1x128xf32, #tpu.memory_space<vmem>>, %arg8: memref<1x128xf32, #tpu.memory_space<vmem>>, %arg9: memref<1x128xf32, #tpu.memory_space<vmem>>, %arg10: memref<10000x128xf32, #tpu.memory_space<vmem>>) attributes {dimension_semantics = [], scalar_prefetch = 0 : i64, scratch_operands = 0 : i64, tpu.core_type = #tpu.core_type<tc>} {
    %get3A = arith.constant 0 : index
    %get3A_0 = arith.constant 0 : index
    %get3A_1 = vector.load %arg0[%get3A, %get3A_0] : memref<10000x128xf32, #tpu.memory_space<vmem>>, vector<10000x128xf32>
    %get3A_2 = arith.constant 0 : index
    %get3A_3 = arith.constant 0 : index
    %get3A_4 = arith.constant 0 : index
    %get3A_5 = vector.load %arg1[%get3A_2, %get3A_3, %get3A_4] : memref<2x10112x128xf32, #tpu.memory_space<vmem>>, vector<1x10000x128xf32>
    %get3A_6 = vector.shape_cast %get3A_5 : vector<1x10000x128xf32> to vector<10000x128xf32>
    %get3A_7 = arith.constant 1 : index
    %get3A_8 = arith.constant 0 : index
    %get3A_9 = arith.constant 0 : index
    %get3A_10 = vector.load %arg1[%get3A_7, %get3A_8, %get3A_9] : memref<2x10112x128xf32, #tpu.memory_space<vmem>>, vector<1x10000x128xf32>
    %get3A_11 = vector.shape_cast %get3A_10 : vector<1x10000x128xf32> to vector<10000x128xf32>
    %add3A = arith.addf %get3A_6, %get3A_11 : vector<10000x128xf32>
    %get3A_12 = arith.constant 0 : index
    %get3A_13 = arith.constant 0 : index
    %get3A_14 = arith.constant 0 : index
    %get3A_15 = vector.load %arg2[%get3A_12, %get3A_13, %get3A_14] : memref<2x10112x128xf32, #tpu.memory_space<vmem>>, vector<1x10000x1xf32>
    %get3A_16 = vector.shape_cast %get3A_15 : vector<1x10000x1xf32> to vector<10000x1xf32>
    %get3A_17 = arith.constant 1 : index
    %get3A_18 = arith.constant 0 : index
    %get3A_19 = arith.constant 0 : index
    %get3A_20 = vector.load %arg2[%get3A_17, %get3A_18, %get3A_19] : memref<2x10112x128xf32, #tpu.memory_space<vmem>>, vector<1x10000x1xf32>
    %get3A_21 = vector.shape_cast %get3A_20 : vector<1x10000x1xf32> to vector<10000x1xf32>
    %add3A_22 = arith.addf %get3A_16, %get3A_21 : vector<10000x1xf32>
    %max3A = arith.constant 1.000000e+00 : f32
    %max3A_23 = vector.broadcast %max3A : f32 to vector<10000x1xf32>
    %max3A_24 = arith.maximumf %add3A_22, %max3A_23 : vector<10000x1xf32>
    %div3A = vector.broadcast %max3A_24 : vector<10000x1xf32> to vector<10000x128xf32>
    %div3A_25 = arith.divf %add3A, %div3A : vector<10000x128xf32>
    %get3A_26 = arith.constant 0 : index
    %get3A_27 = arith.constant 0 : index
    %get3A_28 = vector.load %arg3[%get3A_26, %get3A_27] : memref<128x128xf32, #tpu.memory_space<vmem>>, vector<128x128xf32>
    %dot_general3A = arith.constant dense<0.000000e+00> : vector<10000x128xf32>
    %dot_general3A_29 = tpu.matmul %get3A_1, %get3A_28, %dot_general3A {dimension_numbers = #tpu.dot_dimension_numbers<[1], [0], [0], [1], [0, 0, 1, 1], [], []>, transpose_lhs_hint = false} : vector<10000x128xf32>, vector<128x128xf32>, vector<10000x128xf32> -> vector<10000x128xf32>
    %get3A_30 = arith.constant 0 : index
    %get3A_31 = arith.constant 0 : index
    %get3A_32 = vector.load %arg4[%get3A_30, %get3A_31] : memref<128x128xf32, #tpu.memory_space<vmem>>, vector<128x128xf32>
    %dot_general3A_33 = arith.constant dense<0.000000e+00> : vector<10000x128xf32>
    %dot_general3A_34 = tpu.matmul %div3A_25, %get3A_32, %dot_general3A_33 {dimension_numbers = #tpu.dot_dimension_numbers<[1], [0], [0], [1], [0, 0, 1, 1], [], []>, transpose_lhs_hint = false} : vector<10000x128xf32>, vector<128x128xf32>, vector<10000x128xf32> -> vector<10000x128xf32>
    %add3A_35 = arith.addf %dot_general3A_29, %dot_general3A_34 : vector<10000x128xf32>
    %get3A_36 = arith.constant 0 : index
    %get3A_37 = arith.constant 0 : index
    %get3A_38 = vector.load %arg6[%get3A_36, %get3A_37] : memref<1x128xf32, #tpu.memory_space<vmem>>, vector<1x128xf32>
    %add3A_39 = vector.broadcast %get3A_38 : vector<1x128xf32> to vector<10000x128xf32>
    %add3A_40 = arith.addf %add3A_35, %add3A_39 : vector<10000x128xf32>
    %get3A_41 = arith.constant 0 : index
    %get3A_42 = arith.constant 0 : index
    %get3A_43 = vector.load %arg5[%get3A_41, %get3A_42] : memref<128x128xf32, #tpu.memory_space<vmem>>, vector<128x128xf32>
    %dot_general3A_44 = arith.constant dense<0.000000e+00> : vector<10000x128xf32>
    %dot_general3A_45 = tpu.matmul %get3A_1, %get3A_43, %dot_general3A_44 {dimension_numbers = #tpu.dot_dimension_numbers<[1], [0], [0], [1], [0, 0, 1, 1], [], []>, transpose_lhs_hint = false} : vector<10000x128xf32>, vector<128x128xf32>, vector<10000x128xf32> -> vector<10000x128xf32>
    %get3A_46 = arith.constant 0 : index
    %get3A_47 = arith.constant 0 : index
    %get3A_48 = vector.load %arg7[%get3A_46, %get3A_47] : memref<1x128xf32, #tpu.memory_space<vmem>>, vector<1x128xf32>
    %add3A_49 = vector.broadcast %get3A_48 : vector<1x128xf32> to vector<10000x128xf32>
    %add3A_50 = arith.addf %dot_general3A_45, %add3A_49 : vector<10000x128xf32>
    %max3A_51 = arith.constant 0.000000e+00 : f32
    %max3A_52 = vector.broadcast %max3A_51 : f32 to vector<10000x128xf32>
    %max3A_53 = arith.maximumf %add3A_50, %max3A_52 : vector<10000x128xf32>
    %add3A_54 = arith.addf %add3A_40, %max3A_53 : vector<10000x128xf32>
    %reduce_sum3A = arith.constant dense<0.000000e+00> : vector<128xf32>
    %reduce_sum3A_55 = vector.multi_reduction <add>, %add3A_54, %reduce_sum3A [0] : vector<10000x128xf32> to vector<128xf32>
    %broadcast_in_dim3A = vector.shape_cast %reduce_sum3A_55 : vector<128xf32> to vector<1x128xf32>
    %div3A_56 = arith.constant 1.000000e+04 : f32
    %div3A_57 = vector.broadcast %div3A_56 : f32 to vector<1x128xf32>
    %div3A_58 = arith.divf %broadcast_in_dim3A, %div3A_57 : vector<1x128xf32>
    %sub3A = vector.broadcast %div3A_58 : vector<1x128xf32> to vector<10000x128xf32>
    %sub3A_59 = arith.subf %add3A_54, %sub3A : vector<10000x128xf32>
    %integer_pow3A = arith.mulf %sub3A_59, %sub3A_59 : vector<10000x128xf32>
    %reduce_sum3A_60 = arith.constant dense<0.000000e+00> : vector<128xf32>
    %reduce_sum3A_61 = vector.multi_reduction <add>, %integer_pow3A, %reduce_sum3A_60 [0] : vector<10000x128xf32> to vector<128xf32>
    %broadcast_in_dim3A_62 = vector.shape_cast %reduce_sum3A_61 : vector<128xf32> to vector<1x128xf32>
    %div3A_63 = arith.constant 1.000000e+04 : f32
    %div3A_64 = vector.broadcast %div3A_63 : f32 to vector<1x128xf32>
    %div3A_65 = arith.divf %broadcast_in_dim3A_62, %div3A_64 : vector<1x128xf32>
    %sub3A_66 = vector.broadcast %div3A_58 : vector<1x128xf32> to vector<10000x128xf32>
    %sub3A_67 = arith.subf %add3A_54, %sub3A_66 : vector<10000x128xf32>
    %add3A_68 = arith.constant 9.99999974E-6 : f32
    %add3A_69 = vector.broadcast %add3A_68 : f32 to vector<1x128xf32>
    %add3A_70 = arith.addf %div3A_65, %add3A_69 : vector<1x128xf32>
    %rsqrt3A = math.rsqrt %add3A_70 : vector<1x128xf32>
    %mul3A = vector.broadcast %rsqrt3A : vector<1x128xf32> to vector<10000x128xf32>
    %mul3A_71 = arith.mulf %sub3A_67, %mul3A : vector<10000x128xf32>
    %get3A_72 = arith.constant 0 : index
    %get3A_73 = arith.constant 0 : index
    %get3A_74 = vector.load %arg8[%get3A_72, %get3A_73] : memref<1x128xf32, #tpu.memory_space<vmem>>, vector<1x128xf32>
    %mul3A_75 = vector.broadcast %get3A_74 : vector<1x128xf32> to vector<10000x128xf32>
    %mul3A_76 = arith.mulf %mul3A_71, %mul3A_75 : vector<10000x128xf32>
    %get3A_77 = arith.constant 0 : index
    %get3A_78 = arith.constant 0 : index
    %get3A_79 = vector.load %arg9[%get3A_77, %get3A_78] : memref<1x128xf32, #tpu.memory_space<vmem>>, vector<1x128xf32>
    %add3A_80 = vector.broadcast %get3A_79 : vector<1x128xf32> to vector<10000x128xf32>
    %add3A_81 = arith.addf %mul3A_76, %add3A_80 : vector<10000x128xf32>
    %swap3A = arith.constant 0 : index
    %swap3A_82 = arith.constant 0 : index
    %swap3A_83 = vector.load %arg10[%swap3A, %swap3A_82] : memref<10000x128xf32, #tpu.memory_space<vmem>>, vector<10000x128xf32>
    tpu.vector_store %arg10[%swap3A, %swap3A_82], %add3A_81 {strides = array<i32>} : memref<10000x128xf32, #tpu.memory_space<vmem>>, vector<10000x128xf32>,
    return
  }
}

</mosaic_0001>

<sc_bundles>
// kernel: kernel.4.cloned.1.call-start
scs
__scs_entry_jumppad:
0x0: {  	(pc) =	sbr.rel $0x88, $3  }
0x1: {  	(tag) =	ssettag $0x0;
	lr =	simm.s32 $0x1  }
0x2: {  	[smem:$0x3F98] =	sst lr;
	_ =	strace $0xD0000000  }
0x3: {  	_ = 	snop  }
0x4: {  	_ = 	snop  }
0x5: {  	_ = 	snop  }
0x6: {  	_ = 	snop  }
0x7: {  	_ = 	snop  }
__scs_overlays_trampoline_lowered:
0x8: {  	[smem:$0x3FA7] =	sst s0  }
0x9: {  	[smem:$0x3FA8] =	sst s1  }
0xa: {  	[smem:$0x3FA9] =	sst s2  }
0xb: {  	[smem:$0x3FAA] =	sst s3  }
0xc: {  	[smem:$0x3FAB] =	sst s4  }
0xd: {  	[smem:$0x3FAC] =	sst s5  }
0xe: {  	[smem:$0x3FAD] =	sst s6  }
0xf: {  	[smem:$0x3FAE] =	sst s7  }
0x10: {  	[smem:$0x3FAF] =	sst s8  }
0x11: {  	[smem:$0x3FB0] =	sst s9;
	s0 =	simm.s32 @!p0 $0x0  }
0x12: {  	s1 =	sld [smem:$0x3F96];
	s0 =	simm.s32 @p0 $0x1  }
0x13: {  	[smem:$0x3FB1] =	sst s0;
	s0 =	simm.s32 @!p1 $0x0  }
0x14: {  	s2 =	sld [smem:$0x3F95];
	s0 =	simm.s32 @p1 $0x1  }
0x15: {  	[smem:$0x3FB2] =	sst s0;
	s0 =	simm.s32 @!p2 $0x0  }
0x16: {  	s3 =	sld [smem:$0x3FDB];
	s0 =	simm.s32 @p2 $0x1  }
0x17: {  	s4 =	simm.s32 $0x1BF5;
	[smem:$0x3FB4] =	sst s0  }
0x18: {  	s0 =	sld [smem:$0x3F97];
	_ =	swait.ge [sflag:s4], $0x0  }
0x19: {  	s7 =	sld [smem:$0x3F98]  }
0x1a: {  	s8 =	sadd.s32 $0xFFFFE003, lr  }
0x1b: {  	s9 =	sadd.s32 $0xFFFFFEF7, lr;
	s5 =	simm.s32 $0xFFFFFFFF;
	p2 =	slt.u32 s8, $0xFFFFF086  }
0x1c: {  	p1 =	slt.u32 s9, $0xF7A;
	s5 =	simm.s32 @!p2 $0x0  }
0x1d: {  	s5 =	simm.s32 @p1 $0x1;
	p0 =	seq.s32 s7, s2  }
0x1e: {  	s7 =	smul.u32 @!p0 $0xF7A, s2;
	p2 =	seq.s32 @!p0 s5, $0x0  }
0x1f: {  	s9 =	smul.u32 $0xF7A, s1;
	s8 =	simm.s32 @!p0 $0x1BF5;
	p2 =	por !p2, p0  }
0x20: {  	[sflag:s8] =	ssyncset.s32 @!p0 $0xFFFFF086;
	s6 =	sadd.s32 @!p0 s3, s7;
	s7 =	simm.s32 @!p0 $0x108  }
0x21: {  	s3 =	sadd.s32 s3, s9;
	s6 =	sadd.s32 @!p0 $0x88, s6;
	s7 =	simm.s32 @p2 $0x1082  }
0x22: {  	[simem:s7], [sflag:s8] =	dma.local @!p0 [hbm:s6], $0xF7A  }
0x23: {  	s9 =	sor.u32 $0xD0000000, s2;
	s6 =	simm.s32 $0x108;
	_ =	swait.ge @!p0 [sflag:s8], $0x0  }
0x24: {  	s3 =	sadd.s32 $0x88, s3;
	s6 =	simm.s32 @!p1 $0x1082;
	[sflag:s4] =	ssyncset.s32 $0xFFFFF086  }
0x25: {  	[simem:s6], [sflag:s4] =	dma.local [hbm:s3], $0xF7A  }
0x26: {  	[smem:$0x3F98] =	sst s1;
	(tag) =	ssettag s2;
	_ =	strace s9  }
0x27: {  	s1 =	sld [smem:$0x3FA8]  }
0x28: {  	s2 =	sld [smem:$0x3FA9]  }
0x29: {  	s4 =	sld [smem:$0x3FAB]  }
0x2a: {  	p0 =	seq.s32 s5, $0x0;
	s5 =	sld [smem:$0x3FAC]  }
0x2b: {  	s6 =	sld [smem:$0x3FAD]  }
0x2c: {  	s7 =	sld [smem:$0x3FAE]  }
0x2d: {  	s3 =	simm.s32 $0x108;
	s8 =	sld [smem:$0x3FAF]  }
0x2e: {  	s3 =	simm.s32 @!p0 $0x1082;
	s9 =	sld [smem:$0x3FB0]  }
0x2f: {  	lr =	sadd.s32 s0, s3;
	s0 =	sld [smem:$0x3FA7]  }
0x30: {  	s3 =	sld [smem:$0x3FAA]  }
0x31: {  	[smem:$0x3FB3] =	sst s10  }
0x32: {  	s10 =	sld [smem:$0x3FB1];
	_ =	sdelay $0x3  }
0x33: {  	p0 =	seq.s32 s10, $0x1;
	s10 =	sld [smem:$0x3FB3];
	_ =	sdelay $0x3  }
0x34: {  	[smem:$0x3FB3] =	sst s10  }
0x35: {  	s10 =	sld [smem:$0x3FB2];
	_ =	sdelay $0x3  }
0x36: {  	p1 =	seq.s32 s10, $0x1;
	s10 =	sld [smem:$0x3FB3];
	_ =	sdelay $0x3  }
0x37: {  	[smem:$0x3FB3] =	sst s10  }
0x38: {  	s10 =	sld [smem:$0x3FB4]  }
0x39: {  	_ = 	snop;
	(pc) =	sbr.ind lr, $3  }
0x3a: {  	_ = 	snop  }
0x3b: {  	_ = 	snop  }
0x3c: {  	p2 =	seq.s32 s10, $0x1;
	s10 =	sld [smem:$0x3FB3]  }
0x3d: {  	_ =	shalt  }
0x3e: {  	_ =	shalt  }
0x3f: {  	_ =	shalt  }
0x40: {  	_ =	shalt  }
0x41: {  	_ =	shalt  }
0x42: {  	_ =	shalt  }
0x43: {  	_ =	shalt  }
0x44: {  	_ =	shalt  }
0x45: {  	_ =	shalt  }
0x46: {  	_ =	shalt  }
0x47: {  	_ =	shalt  }
0x48: {  	_ =	shalt  }
0x49: {  	_ =	shalt  }
0x4a: {  	_ =	shalt  }
0x4b: {  	_ =	shalt  }
0x4c: {  	_ =	shalt  }
0x4d: {  	_ =	shalt  }
0x4e: {  	_ =	shalt  }
0x4f: {  	_ =	shalt  }
0x50: {  	_ =	shalt  }
0x51: {  	_ =	shalt  }
0x52: {  	_ =	shalt  }
0x53: {  	_ =	shalt  }
0x54: {  	_ =	shalt  }
0x55: {  	_ =	shalt  }
0x56: {  	_ =	shalt  }
0x57: {  	_ =	shalt  }
0x58: {  	_ =	shalt  }
0x59: {  	_ =	shalt  }
0x5a: {  	_ =	shalt  }
0x5b: {  	_ =	shalt  }
0x5c: {  	_ =	shalt  }
0x5d: {  	_ =	shalt  }
0x5e: {  	_ =	shalt  }
0x5f: {  	_ =	shalt  }
0x60: {  	_ =	shalt  }
0x61: {  	_ =	shalt  }
0x62: {  	_ =	shalt  }
0x63: {  	_ =	shalt  }
0x64: {  	_ =	shalt  }
0x65: {  	_ =	shalt  }
0x66: {  	_ =	shalt  }
0x67: {  	_ =	shalt  }
0x68: {  	_ =	shalt  }
0x69: {  	_ =	shalt  }
0x6a: {  	_ =	shalt  }
0x6b: {  	_ =	shalt  }
0x6c: {  	_ =	shalt  }
0x6d: {  	_ =	shalt  }
0x6e: {  	_ =	shalt  }
0x6f: {  	_ =	shalt  }
0x70: {  	_ =	shalt  }
0x71: {  	_ =	shalt  }
0x72: {  	_ =	shalt  }
0x73: {  	_ =	shalt  }
0x74: {  	_ =	shalt  }
0x75: {  	_ =	shalt  }
0x76: {  	_ =	shalt  }
0x77: {  	_ =	shalt  }
0x78: {  	_ =	shalt  }
0x79: {  	_ =	shalt  }
0x7a: {  	_ =	shalt  }
0x7b: {  	_ =	shalt  }
0x7c: {  	_ =	shalt  }
0x7d: {  	_ =	shalt  }
0x7e: {  	_ =	shalt  }
0x7f: {  	_ =	shalt  }
0x80: {  	_ =	shalt  }
0x81: {  	_ =	shalt  }
0x82: {  	_ =	shalt  }
0x83: {  	_ =	shalt  }
0x84: {  	_ =	shalt  }
0x85: {  	_ =	shalt  }
0x86: {  	_ =	shalt  }
0x87: {  	_ =	shalt  }
.Lfunc_end0:
.L_simem_size_0:
called_computation_lowered:
.L_overlay_start_0:
0x88: {  	s2 =	sld [smem:$0x3FD9]  }
0x89: {  	s3 =	sld [smem:$0x3FFE];
	_ =	sdelay $0x1  }
0x8a: {  	s1 =	srdreg.scid  }
0x8b: {  	s0 =	sand.u32 $0x1, s1  }
0x8c: {  	s17 =	sshll.u32 s0, $0xA;
	s2 =	sadd.s32 s3, s2  }
0x8d: {  	s2 =	sadd.s32 s2, s17  }
0x8e: {  	[smem:$0x3FBF] =	sst s2  }
0x8f: {  	_ = 	snop  }
0x90: {  	s2 =	sld [smem:$0x3FC9]  }
0x91: {  	s18 =	sld [smem:$0x3FD0];
	(tm) =	ssettm $0x1  }
0x92: {  	s4 =	sld [smem:$0x3FFB];
	_ =	sdelay $0x3  }
0x93: {  	_ =	strace s4  }
0x94: {  	s4 =	sld [smem:$0x3FFC];
	_ =	sdelay $0x3  }
0x95: {  	_ =	strace s4  }
0x96: {  	s4 =	sld [smem:$0x3FFD];
	_ =	sdelay $0x3  }
0x97: {  	_ =	strace s4  }
0x98: {  	_ =	strace $0x8FFFFFFF  }
0x99: {  	s19 =	sld [smem:$0x3FDB];
	_ =	sdelay $0x1  }
0x9a: {  	s5 =	simm.s32 $_scs_section_size  }
0x9b: {  	s6 =	simm.s32 $_size__tile_overlayer_lowered;
	s7 =	simm.s32 $_tile_overlayer_lowered  }
0x9c: {  	s22 =	simm.s32 $0x1BFF;
	s21 =	sshll.u32 s7, $0x1;
	s4 =	sadd.s32 s5, s19  }
0x9d: {  	s8 =	simm.s32 $0x0;
	s20 =	sshll.u32 s6, $0x1;
	s6 =	sadd.s32 s21, s4  }
0x9e: {  	[timem:s8], [sflag:s22] =	dma.local [hbm:s6], s20  }
0x9f: {  	_ =	swait.ge [sflag:s22], s20  }
0xa0: {  	s5 =	ssub.s32 $0x0, s20;
	[sflag:s22] =	ssyncset.done $0x0  }
0xa1: {  	[sflag:s22] =	ssyncadd.s32 s5;
	_ =	sdelay $0x1  }
0xa2: {  	s23 =	simm.s32 $0x1B8B  }
0xa3: {  	_ =	swait.ge [sflag:s23], $0x1  }
0xa4: {  	[sflag:s23] =	ssyncset.done $0x0  }
0xa5: {  	s25 =	simm.s32 $0x1B8E;
	s24 =	sld [smem:$0x3FFE];
	[sflag:s23] =	ssyncadd.s32 $0xFFFFFFFF  }
0xa6: {  	s26 =	simm.s32 $execute0_lowered;
	[smem:$0x3FD2] =	sst s25  }
0xa7: {  	s6 =	sshll.u32 s26, $0x1;
	_ =	strace $0x80000046;
	[dreg:$0x1] =	wrdreg $0xFFFFFFFF  }
0xa8: {  	s28 =	simm.s32 $_size_execute0_lowered;
	s4 =	sadd.s32 s4, s6;
	[dreg:$0x0] =	wrdreg $0x0  }
0xa9: {  	s6 =	sshll.u32 s28, $0x1;
	[dreg:$0x2] =	wrdreg s4  }
0xaa: {  	[dreg:$0x3] =	wrdreg s6  }
0xab: {  	[dreg:$0x4] =	wrdreg $0xC0  }
0xac: {  	_ =	task [dreg:s8], $0x5FFFF  }
0xad: {  	[dreg:$0x1] =	wrdreg $0xFFFFFFFF  }
0xae: {  	[dreg:$0x0] =	wrdreg $0x60  }
0xaf: {  	[dreg:$0x2] =	wrdreg s24  }
0xb0: {  	[dreg:$0x3] =	wrdreg s18  }
0xb1: {  	[dreg:$0x4] =	wrdreg s2  }
0xb2: {  	[dreg:$0x5] =	wrdreg $0x42000  }
0xb3: {  	[dreg:$0x6] =	wrdreg $0x9  }
0xb4: {  	_ =	task.clear_ibuf [dreg:s8], $0x7FFFF;
	_ =	strace $0x90000046  }
0xb5: {  	s29 =	simm.s32 $0x9;
	_ =	strace $0x80000048  }
0xb6: {  	_ =	swait.ge [sflag:s29], $0x1  }
0xb7: {  	[sflag:s29] =	ssyncadd.s32 $0xFFFFFFFF  }
0xb8: {  	_ =	strace $0x90000048  }
0xb9: {  	_ =	sfence  }
0xba: {  	s30 =	sld [smem:$0x0];
	_ =	sdelay $0x2  }
0xbb: {  	s31 =	sshll.u32 s1, $0xD;
	s1 =	sshrl.u32 s1, $0x2  }
0xbc: {  	s3 =	sand.u32 $0x4000, s31;
	s1 =	sadd.s32 s1, s30  }
0xbd: {  	s0 =	sor.u32 s3, s0;
	s1 =	sshll.u32 s1, $0x11  }
0xbe: {  	s0 =	sor.u32 s1, s0  }
0xbf: {  	s0 =	sadd.s32 $0x8F2B, s0  }
0xc0: {  	[sflag:s0] =	ssyncadd.remote.s32 $0x1  }
0xc1: {  	_ =	sfence.sel $0xFFFF  }
0xc2: {  	[dreg:$0x0] =	wrdreg $0xFFFFFFFF;
	(pc) =	sbr.abs _section_cstart, $3  }
0xc3: {  	[dreg:$0x1] =	wrdreg $0xFFFFFFFF  }
0xc4: {  	_ =	task.clear_ibuf [dreg:s8], $0x2FFFF;
	_ =	strace $0x9FFFFFFF  }
0xc5: {  	(tm) =	ssettm $0x7FFFFFFF  }
tec
execute0_lowered:
.L_overlay_start_1:
0x0: {  	(tag) =	ssettag $0x1  }
0x1: {  	s0 =	rddreg [dreg:$0x0]  }
0x2: {  	s2 =	rddreg [dreg:$0x1];
	s3 =	srdreg.scid;
	s1 =	simm.s32 $0x0  }
0x3: {  	s20 =	stileid.u32;
	s3 =	sand.u32 $0x1, s3;
	[smem:$0x7FF] =	sst s1  }
0x4: {  	s5 =	smul.u32 $0x13C00, s20;
	s6 =	sadd.s32 $0x1800, s0;
	s7 =	sadd.s32 $0xC600, s0  }
0x5: {  	s9 =	sadd.s32 $0x5B600, s0;
	s15 =	sshll.u32 s20, $0x5;
	s28 =	sadd.s32 $0xBE00, s0  }
0x6: {  	s0 =	sadd.s32 $0xB600, s0;
	p0 =	sgt.u32 s20, $0x1;
	s4 =	ssub.s32 $0x2, s3  }
0x7: {  	s12 =	smul.u32 $0x13C000, s3;
	s3 =	sshll.u32 s3, $0x4;
	s8 =	sshrl.u32 s4, $0x1  }
0x8: {  	s10 =	sadd.s32 $0x8000, s5;
	s11 =	sadd.s32 $0xC000, s5;
	s14 =	sadd.s32 $0x10000, s5  }
0x9: {  	s16 =	sor.u32 s3, s15;
	s4 =	ssub.s32 s4, s8;
	s8 =	sadd.s32 $0x4000, s5  }
0xa: {  	s5 =	sadd.s32 s5, s12;
	s17 =	sor.u32 $0x200, s16;
	s29 =	sadd.s32 s12, s10  }
0xb: {  	s19 =	sadd.s32 s12, s11;
	s22 =	sor.u32 $0x9C00, s16;
	s18 =	sadd.s32 s6, s17  }
0xc: {  	s24 =	sor.u32 $0x400, s16;
	s23 =	sadd.s32 s6, s22;
	[dreg:$0x5] =	wrdreg s18  }
0xd: {  	s13 =	sadd.s32 s12, s8;
	s5 =	sshrl.u32 s5, $0x3;
	[dreg:$0x10] =	wrdreg s23  }
0xe: {  	s19 =	sshrl.u32 s19, $0x3;
	s25 =	sadd.s32 s7, s5;
	s23 =	rddreg [dreg:$0x2]  }
0xf: {  	s12 =	sadd.s32 s12, s14;
	s30 =	sadd.s32 s7, s19;
	[dreg:$0x6] =	wrdreg s25  }
0x10: {  	s13 =	sshrl.u32 s13, $0x3;
	s5 =	sadd.s32 s9, s5;
	[dreg:$0x9] =	wrdreg s30  }
0x11: {  	s18 =	sshrl.u32 s29, $0x3;
	s19 =	sadd.s32 s9, s19;
	[dreg:$0xb] =	wrdreg s5  }
0x12: {  	s12 =	sshrl.u32 s12, $0x3;
	s26 =	sadd.s32 s7, s13;
	[dreg:$0xe] =	wrdreg s19  }
0x13: {  	s29 =	sor.u32 $0x600, s16;
	s21 =	sadd.s32 s7, s18;
	[dreg:$0x7] =	wrdreg s26  }
0x14: {  	s7 =	sadd.s32 s7, s12;
	s13 =	sadd.s32 s9, s13;
	[dreg:$0x8] =	wrdreg s21  }
0x15: {  	s18 =	sadd.s32 s9, s18;
	s5 =	sadd.s32 s2, s22;
	[dreg:$0xa] =	wrdreg s7  }
0x16: {  	s25 =	sadd.s32 s6, s24;
	s19 =	sadd.s32 s2, s16;
	[dreg:$0xc] =	wrdreg s13  }
0x17: {  	s30 =	sadd.s32 s6, s29;
	s22 =	sadd.s32 s2, s29;
	[dreg:$0xd] =	wrdreg s18  }
0x18: {  	s21 =	sadd.s32 s9, s12;
	s13 =	sadd.s32 s2, s17;
	[dreg:$0x11] =	wrdreg s5  }
0x19: {  	[dreg:$0x12] =	wrdreg s25;
	s17 =	sadd.s32 s2, s24;
	s26 =	sadd.s32 s6, s16  }
0x1a: {  	[dreg:$0x14] =	wrdreg s30;
	s2 =	sadd.s32 s15, s2;
	s7 =	sadd.s32 s15, s6  }
0x1b: {  	s24 =	rddreg [dreg:$0x3];
	s9 =	smul.u32 $0x4F000, s20;
	s15 =	sshll.u32 s20, $0x6  }
0x1c: {  	s30 =	smax.u32 s4, $0x1;
	s5 =	sadd.s32 $0x9C00, s19;
	[dreg:$0xf] =	wrdreg s21  }
0x1d: {  	s6 =	simm.s32 $0x4;
	[dreg:$0x13] =	wrdreg s26;
	s25 =	sadd.s32 s3, s2  }
0x1e: {  	s26 =	sadd.s32 s3, s7;
	s31 =	sor.u32 $0x1C04, s15;
	s16 =	sadd.s32 s8, s24  }
0x1f: {  	s18 =	sadd.s32 s10, s24;
	_ =	strace $0x80000047;
	[dreg:$0x15] =	wrdreg s0  }
0x20: {  	s21 =	sadd.s32 s11, s24;
	s29 =	sadd.s32 s14, s24;
	[dreg:$0x17] =	wrdreg s16  }
0x21: {  	s7 =	simm.s32 $0x80;
	s8 =	simm.s32 $0x100;
	[dreg:$0x18] =	wrdreg s18  }
0x22: {  	s10 =	simm.s32 $0x200;
	s11 =	simm.s32 $0x1;
	[dreg:$0x19] =	wrdreg s21  }
0x23: {  	s14 =	simm.s32 $0x3;
	s12 =	sshrl.u32 s9, $0x2;
	[dreg:$0x1a] =	wrdreg s29  }
0x24: {  	s15 =	simm.s32 $0x0;
	[dreg:$0x1b] =	wrdreg s30;
	s0 =	sadd.s32 s12, s24  }
0x25: {  	s9 =	simm.s32 $0x180;
	s12 =	simm.s32 $0x2;
	[dreg:$0x16] =	wrdreg s0  }
.LBB2_1:
0x26: {  	s0 =	rddreg [dreg:$0x16]  }
0x27: {  	s16 =	sshrl.u32 s0, $0x3  }
0x28: {  	[spmem:s16], [sflag:s31] =	dma.local [hbm:s28], $0x800  }
0x29: {  	_ =	swait.ge [sflag:s6], $0x800  }
0x2a: {  	[sflag:s6] =	ssyncset.done $0x0;
	s2 =	rddreg [dreg:$0x17]  }
0x2b: {  	[sflag:s6] =	ssyncadd.s32 $0xFFFFF800;
	s18 =	sshrl.u32 s2, $0x3  }
0x2c: {  	[spmem:s18], [sflag:s31] =	dma.local [hbm:s28], $0x800  }
0x2d: {  	_ =	swait.ge [sflag:s6], $0x800  }
0x2e: {  	[sflag:s6] =	ssyncset.done $0x0;
	s3 =	rddreg [dreg:$0x18]  }
0x2f: {  	[sflag:s6] =	ssyncadd.s32 $0xFFFFF800;
	s20 =	sshrl.u32 s3, $0x3  }
0x30: {  	[spmem:s20], [sflag:s31] =	dma.local [hbm:s28], $0x800  }
0x31: {  	_ =	swait.ge [sflag:s6], $0x800  }
0x32: {  	[sflag:s6] =	ssyncset.done $0x0;
	s4 =	rddreg [dreg:$0x19]  }
0x33: {  	[sflag:s6] =	ssyncadd.s32 $0xFFFFF800;
	s29 =	sshrl.u32 s4, $0x3  }
0x34: {  	[spmem:s29], [sflag:s31] =	dma.local [hbm:s28], $0x800  }
0x35: {  	_ =	swait.ge [sflag:s6], $0x800  }
0x36: {  	[sflag:s6] =	ssyncset.done $0x0;
	s21 =	rddreg [dreg:$0x1a]  }
0x37: {  	[sflag:s6] =	ssyncadd.s32 $0xFFFFF800;
	s30 =	sshrl.u32 s21, $0x3  }
0x38: {  	[spmem:s30], [sflag:s31] =	dma.local [hbm:s28], $0x780  }
0x39: {  	_ =	swait.ge [sflag:s6], $0x780  }
0x3a: {  	[sflag:s6] =	ssyncset.done $0x0  }
0x3b: {  	[sflag:s6] =	ssyncadd.s32 $0xFFFFF880  }
0x3c: {  	[bflag:$0x0] =	sbarrier.arrive $0xFFFF  }
0x3d: {  	s2 =	rddreg [dreg:$0x13]  }
0x3e: {  	[tilespmem:s1], [sflag:$0x4] =	stream.linear.gather [hbm4b:s2+s1], $0x80, $0x38;
	[tilespmem:$0x17E00] =	vst v63  }
0x3f: {  	_ =	swait.ge [sflag:s6], $0x80  }
0x40: {  	[sflag:s6] =	ssyncset.done $0x0  }
0x41: {  	[sflag:s6] =	ssyncadd.s32 $0xFFFFFF80  }
0x42: {  	[tilespmem:s7], [sflag:$0x4] =	stream.linear.gather [hbm4b:s19+s1], $0x80, $0x38;
	[tilespmem:$0x17E00] =	vst v63  }
0x43: {  	_ =	swait.ge [sflag:s6], $0x80  }
0x44: {  	[sflag:s6] =	ssyncset.done $0x0  }
0x45: {  	s3 =	rddreg [dreg:$0x5];
	[sflag:s6] =	ssyncadd.s32 $0xFFFFFF80  }
0x46: {  	[tilespmem:s8], [sflag:$0x4] =	stream.linear.gather [hbm4b:s3+s1], $0x80, $0x38;
	[tilespmem:$0x17E00] =	vst v63  }
0x47: {  	_ =	swait.ge [sflag:s6], $0x80  }
0x48: {  	[sflag:s6] =	ssyncset.done $0x0  }
0x49: {  	[sflag:s6] =	ssyncadd.s32 $0xFFFFFF80  }
0x4a: {  	[tilespmem:s9], [sflag:$0x4] =	stream.linear.gather [hbm4b:s13+s1], $0x80, $0x38;
	[tilespmem:$0x17E00] =	vst v63  }
0x4b: {  	_ =	swait.ge [sflag:s6], $0x80  }
0x4c: {  	[sflag:s6] =	ssyncset.done $0x0  }
0x4d: {  	[sflag:s6] =	ssyncadd.s32 $0xFFFFFF80  }
0x4e: {  	[tilespmem:s10], [sflag:$0x1] =	stream.indirect.gather [hbm4b:s23+s7], $0x80, s1, s7, $0xb8;
	[tilespmem:$0x17E00] =	vst v63  }
0x4f: {  	_ =	swait.ge [sflag:s11], $0x4000  }
0x50: {  	[sflag:s11] =	ssyncset.done $0x0  }
0x51: {  	[sflag:s11] =	ssyncadd.s32 $0xFFFFC000  }
0x52: {  	[spmem:s24] =	stream.indirect.scatter.add.f32 [tilespmem:s10], [sflag:$0x4], $0x80, s7, s7, $0xb8;
	[tilespmem:$0x17E00] =	vst v63  }
0x53: {  	_ =	swait.ge [sflag:s6], $0x4000  }
0x54: {  	[sflag:s6] =	ssyncset.done $0x0  }
0x55: {  	s4 =	rddreg [dreg:$0x12];
	[sflag:s6] =	ssyncadd.s32 $0xFFFFC000  }
0x56: {  	[tilespmem:s1], [sflag:$0x2] =	stream.linear.gather [hbm4b:s4+s1], $0x80, $0x38;
	[tilespmem:$0x17E00] =	vst v63  }
0x57: {  	_ = 	snop  }
0x58: {  	[tilespmem:s7], [sflag:$0x2] =	stream.linear.gather [hbm4b:s17+s1], $0x80, $0x38;
	[tilespmem:$0x17E00] =	vst v63  }
0x59: {  	_ = 	snop  }
0x5a: {  	[tilespmem:s10], [sflag:$0x1] =	stream.indirect.gather [hbm4b:s23+s7], $0x80, s8, s7, $0xb8;
	[tilespmem:$0x17E00] =	vst v63  }
0x5b: {  	_ =	swait.ge [sflag:s11], $0x4000  }
0x5c: {  	[sflag:s11] =	ssyncset.done $0x0  }
0x5d: {  	[sflag:s11] =	ssyncadd.s32 $0xFFFFC000  }
0x5e: {  	[spmem:s24] =	stream.indirect.scatter.add.f32 [tilespmem:s10], [sflag:$0x4], $0x80, s9, s7, $0xb8;
	[tilespmem:$0x17E00] =	vst v63  }
0x5f: {  	_ =	swait.ge [sflag:s6], $0x4000  }
0x60: {  	[sflag:s6] =	ssyncset.done $0x0  }
0x61: {  	s21 =	rddreg [dreg:$0x14];
	[sflag:s6] =	ssyncadd.s32 $0xFFFFC000  }
0x62: {  	[tilespmem:s8], [sflag:$0x3] =	stream.linear.gather [hbm4b:s21+s1], $0x80, $0x38;
	[tilespmem:$0x17E00] =	vst v63  }
0x63: {  	s21 =	simm.s32 $0x0  }
0x64: {  	[tilespmem:s9], [sflag:$0x3] =	stream.linear.gather [hbm4b:s22+s1], $0x80, $0x38;
	[tilespmem:$0x17E00] =	vst v63  }
.LBB2_2:
0x65: {  	_ =	swait.ge [sflag:s12], $0x80  }
0x66: {  	[sflag:s12] =	ssyncset.done $0x0  }
0x67: {  	[sflag:s12] =	ssyncadd.s32 $0xFFFFFF80  }
0x68: {  	_ =	swait.ge [sflag:s12], $0x80  }
0x69: {  	[sflag:s12] =	ssyncset.done $0x0  }
0x6a: {  	[sflag:s12] =	ssyncadd.s32 $0xFFFFFF80  }
0x6b: {  	[tilespmem:s10], [sflag:$0x1] =	stream.indirect.gather [hbm4b:s23+s7], $0x80, s1, s7, $0xb8;
	[tilespmem:$0x17E00] =	vst v63  }
0x6c: {  	_ =	swait.ge [sflag:s11], $0x4000  }
0x6d: {  	[sflag:s11] =	ssyncset.done $0x0  }
0x6e: {  	[sflag:s11] =	ssyncadd.s32 $0xFFFFC000  }
0x6f: {  	[spmem:s24] =	stream.indirect.scatter.add.f32 [tilespmem:s10], [sflag:$0x4], $0x80, s7, s7, $0xb8;
	[tilespmem:$0x17E00] =	vst v63  }
0x70: {  	p1 =	seq.s32 s21, $0x9400;
	_ =	swait.ge [sflag:s6], $0x4000  }
0x71: {  	s0 =	sadd.s32 @!p1 s21, s26;
	[sflag:s6] =	ssyncset.done $0x0  }
0x72: {  	s2 =	simm.s32 @!p1 $0x0;
	s0 =	sadd.s32 @!p1 $0x800, s0;
	[sflag:s6] =	ssyncadd.s32 $0xFFFFC000  }
0x73: {  	[tilespmem:s2], [sflag:$0x2] =	stream.linear.gather @!p1 [hbm4b:s0+s2], $0x80, $0x38;
	[tilespmem:$0x17E00] =	vst v63  }
0x74: {  	s0 =	sadd.s32 @!p1 s21, s25  }
0x75: {  	s3 =	simm.s32 @!p1 $0x80;
	s0 =	sadd.s32 @!p1 $0x800, s0  }
0x76: {  	[tilespmem:s3], [sflag:$0x2] =	stream.linear.gather @!p1 [hbm4b:s0+s2], $0x80, $0x38;
	[tilespmem:$0x17E00] =	vst v63  }
0x77: {  	_ =	swait.ge [sflag:s14], $0x80  }
0x78: {  	[sflag:s14] =	ssyncset.done $0x0  }
0x79: {  	[sflag:s14] =	ssyncadd.s32 $0xFFFFFF80  }
0x7a: {  	_ =	swait.ge [sflag:s14], $0x80  }
0x7b: {  	[sflag:s14] =	ssyncset.done $0x0  }
0x7c: {  	[sflag:s14] =	ssyncadd.s32 $0xFFFFFF80  }
0x7d: {  	[tilespmem:s10], [sflag:$0x1] =	stream.indirect.gather [hbm4b:s23+s7], $0x80, s8, s7, $0xb8;
	[tilespmem:$0x17E00] =	vst v63  }
0x7e: {  	_ =	swait.ge [sflag:s11], $0x4000  }
0x7f: {  	[sflag:s11] =	ssyncset.done $0x0  }
.Ltmp0:
0x80: {  	[sflag:s11] =	ssyncadd.s32 $0xFFFFC000;
	(pc) =	sbr.rel @p1 .LBB2_4-.Ltmp0, $4  }
0x81: {  	[spmem:s24] =	stream.indirect.scatter.add.f32 [tilespmem:s10], [sflag:$0x4], $0x80, s9, s7, $0xb8;
	[tilespmem:$0x17E00] =	vst v63  }
0x82: {  	_ =	swait.ge [sflag:s6], $0x4000  }
0x83: {  	[sflag:s6] =	ssyncset.done $0x0  }
0x84: {  	[sflag:s6] =	ssyncadd.s32 $0xFFFFC000  }
.Ltmp1:
0x85: {  	s0 =	sadd.s32 s21, s26;
	(pc) =	sbr.rel .LBB2_2-.Ltmp1, $4  }
0x86: {  	s4 =	sadd.s32 s21, s25;
	s0 =	sadd.s32 $0xA00, s0  }
0x87: {  	[tilespmem:s8], [sflag:$0x3] =	stream.linear.gather [hbm4b:s0+s1], $0x80, $0x38;
	[tilespmem:$0x17E00] =	vst v63  }
0x88: {  	s21 =	sadd.s32 $0x400, s21;
	s0 =	sadd.s32 $0xA00, s4  }
0x89: {  	[tilespmem:s9], [sflag:$0x3] =	stream.linear.gather [hbm4b:s0+s1], $0x80, $0x38;
	[tilespmem:$0x17E00] =	vst v63  }
.LBB2_4:
0x8a: {  	s0 =	simm.s32 @!p0 $0x0;
	s2 =	rddreg [dreg:$0x10]  }
0x8b: {  	[tilespmem:s0], [sflag:$0x4] =	stream.linear.gather @!p0 [hbm4b:s2+s0], $0x80, $0x38;
	[tilespmem:$0x17E00] =	vst v63  }
0x8c: {  	s2 =	simm.s32 @!p0 $0x4  }
0x8d: {  	_ =	swait.ge @!p0 [sflag:s2], $0x80  }
0x8e: {  	[sflag:s2] =	ssyncset.done @!p0 $0x0  }
0x8f: {  	s3 =	simm.s32 @!p0 $0x80;
	s4 =	rddreg [dreg:$0x11];
	[sflag:s2] =	ssyncadd.s32 @!p0 $0xFFFFFF80  }
0x90: {  	[tilespmem:s3], [sflag:$0x4] =	stream.linear.gather @!p0 [hbm4b:s4+s0], $0x80, $0x38;
	[tilespmem:$0x17E00] =	vst v63  }
0x91: {  	_ =	swait.ge @!p0 [sflag:s2], $0x80  }
0x92: {  	[sflag:s2] =	ssyncset.done @!p0 $0x0  }
0x93: {  	s21 =	simm.s32 @!p0 $0x200;
	[sflag:s2] =	ssyncadd.s32 @!p0 $0xFFFFFF80  }
0x94: {  	[tilespmem:s21], [sflag:$0x1] =	stream.indirect.gather @!p0 [hbm4b:s23+s3], $0x80, s0, s3, $0xb8;
	[tilespmem:$0x17E00] =	vst v63  }
0x95: {  	s0 =	simm.s32 @!p0 $0x1  }
0x96: {  	_ =	swait.ge @!p0 [sflag:s0], $0x4000  }
0x97: {  	[sflag:s0] =	ssyncset.done @!p0 $0x0  }
0x98: {  	[sflag:s0] =	ssyncadd.s32 @!p0 $0xFFFFC000  }
0x99: {  	[spmem:s24] =	stream.indirect.scatter.add.f32 @!p0 [tilespmem:s21], [sflag:$0x4], $0x80, s3, s3, $0xb8;
	[tilespmem:$0x17E00] =	vst v63  }
0x9a: {  	_ =	swait.ge @!p0 [sflag:s2], $0x4000  }
0x9b: {  	[sflag:s2] =	ssyncset.done @!p0 $0x0  }
0x9c: {  	[sflag:s2] =	ssyncadd.s32 @!p0 $0xFFFFC000  }
0x9d: {  	[bflag:$0x0] =	sbarrier.arrive $0xFFFF  }
0x9e: {  	s2 =	rddreg [dreg:$0x6]  }
0x9f: {  	[hbm:s2], [sflag:s31] =	dma.local [spmem:s16], $0x800  }
0xa0: {  	_ =	swait.ge [sflag:s6], $0x800  }
0xa1: {  	[sflag:s6] =	ssyncset.done $0x0  }
0xa2: {  	s3 =	rddreg [dreg:$0x7];
	[sflag:s6] =	ssyncadd.s32 $0xFFFFF800  }
0xa3: {  	[hbm:s3], [sflag:s31] =	dma.local [spmem:s18], $0x800  }
0xa4: {  	_ =	swait.ge [sflag:s6], $0x800  }
0xa5: {  	[sflag:s6] =	ssyncset.done $0x0  }
0xa6: {  	s4 =	rddreg [dreg:$0x8];
	[sflag:s6] =	ssyncadd.s32 $0xFFFFF800  }
0xa7: {  	[hbm:s4], [sflag:s31] =	dma.local [spmem:s20], $0x800  }
0xa8: {  	_ =	swait.ge [sflag:s6], $0x800  }
0xa9: {  	[sflag:s6] =	ssyncset.done $0x0  }
0xaa: {  	s21 =	rddreg [dreg:$0x9];
	[sflag:s6] =	ssyncadd.s32 $0xFFFFF800  }
0xab: {  	[hbm:s21], [sflag:s31] =	dma.local [spmem:s29], $0x800  }
0xac: {  	_ =	swait.ge [sflag:s6], $0x800  }
0xad: {  	[sflag:s6] =	ssyncset.done $0x0  }
0xae: {  	s2 =	rddreg [dreg:$0xa];
	[sflag:s6] =	ssyncadd.s32 $0xFFFFF800  }
0xaf: {  	[hbm:s2], [sflag:s31] =	dma.local [spmem:s30], $0x780  }
0xb0: {  	_ =	swait.ge [sflag:s6], $0x780  }
0xb1: {  	[sflag:s6] =	ssyncset.done $0x0  }
0xb2: {  	[sflag:s6] =	ssyncadd.s32 $0xFFFFF880  }
0xb3: {  	[spmem:s16], [sflag:s31] =	dma.local [hbm:s28], $0x800  }
0xb4: {  	_ =	swait.ge [sflag:s6], $0x800  }
0xb5: {  	[sflag:s6] =	ssyncset.done $0x0  }
0xb6: {  	[sflag:s6] =	ssyncadd.s32 $0xFFFFF800  }
0xb7: {  	[spmem:s18], [sflag:s31] =	dma.local [hbm:s28], $0x800  }
0xb8: {  	_ =	swait.ge [sflag:s6], $0x800  }
0xb9: {  	[sflag:s6] =	ssyncset.done $0x0  }
0xba: {  	[sflag:s6] =	ssyncadd.s32 $0xFFFFF800  }
0xbb: {  	[spmem:s20], [sflag:s31] =	dma.local [hbm:s28], $0x800  }
0xbc: {  	_ =	swait.ge [sflag:s6], $0x800  }
0xbd: {  	[sflag:s6] =	ssyncset.done $0x0  }
0xbe: {  	[sflag:s6] =	ssyncadd.s32 $0xFFFFF800  }
0xbf: {  	[spmem:s29], [sflag:s31] =	dma.local [hbm:s28], $0x800  }
0xc0: {  	_ =	swait.ge [sflag:s6], $0x800  }
0xc1: {  	[sflag:s6] =	ssyncset.done $0x0  }
0xc2: {  	[sflag:s6] =	ssyncadd.s32 $0xFFFFF800  }
0xc3: {  	[spmem:s30], [sflag:s31] =	dma.local [hbm:s28], $0x780  }
0xc4: {  	_ =	swait.ge [sflag:s6], $0x780  }
0xc5: {  	[sflag:s6] =	ssyncset.done $0x0  }
0xc6: {  	s3 =	rddreg [dreg:$0x15];
	[sflag:s6] =	ssyncadd.s32 $0xFFFFF880  }
0xc7: {  	[tilespmem:s10], [sflag:$0x4] =	stream.linear.gather [hbm4b:s3+s1], $0x4000, $0x38;
	[tilespmem:$0x17E00] =	vst v63  }
0xc8: {  	_ =	swait.ge [sflag:s6], $0x4000  }
0xc9: {  	[sflag:s6] =	ssyncset.done $0x0  }
0xca: {  	[sflag:s6] =	ssyncadd.s32 $0xFFFFC000  }
0xcb: {  	[bflag:$0x0] =	sbarrier.arrive $0xFFFF  }
0xcc: {  	[tilespmem:s7], [sflag:$0x4] =	stream.linear.gather [hbm4b:s19+s1], $0x80, $0x38;
	[tilespmem:$0x17E00] =	vst v63  }
0xcd: {  	_ =	swait.ge [sflag:s6], $0x80  }
0xce: {  	[sflag:s6] =	ssyncset.done $0x0  }
0xcf: {  	[sflag:s6] =	ssyncadd.s32 $0xFFFFFF80  }
0xd0: {  	[tilespmem:s9], [sflag:$0x4] =	stream.linear.gather [hbm4b:s13+s1], $0x80, $0x38;
	[tilespmem:$0x17E00] =	vst v63  }
0xd1: {  	_ =	swait.ge [sflag:s6], $0x80  }
0xd2: {  	[sflag:s6] =	ssyncset.done $0x0  }
0xd3: {  	[sflag:s6] =	ssyncadd.s32 $0xFFFFFF80  }
0xd4: {  	[spmem:s24] =	stream.indirect.scatter.add.f32 [tilespmem:s10], [sflag:$0x4], $0x80, s7, s7, $0xb8;
	[tilespmem:$0x17E00] =	vst v63  }
0xd5: {  	_ =	swait.ge [sflag:s6], $0x4000  }
0xd6: {  	[sflag:s6] =	ssyncset.done $0x0  }
0xd7: {  	[sflag:s6] =	ssyncadd.s32 $0xFFFFC000  }
0xd8: {  	[tilespmem:s7], [sflag:$0x2] =	stream.linear.gather [hbm4b:s17+s1], $0x80, $0x38;
	[tilespmem:$0x17E00] =	vst v63  }
0xd9: {  	_ = 	snop  }
0xda: {  	[spmem:s24] =	stream.indirect.scatter.add.f32 [tilespmem:s10], [sflag:$0x4], $0x80, s9, s7, $0xb8;
	[tilespmem:$0x17E00] =	vst v63  }
0xdb: {  	_ =	swait.ge [sflag:s6], $0x4000  }
0xdc: {  	[sflag:s6] =	ssyncset.done $0x0  }
0xdd: {  	[sflag:s6] =	ssyncadd.s32 $0xFFFFC000  }
0xde: {  	[tilespmem:s9], [sflag:$0x3] =	stream.linear.gather [hbm4b:s22+s1], $0x80, $0x38;
	[tilespmem:$0x17E00] =	vst v63  }
0xdf: {  	_ =	swait.ge [sflag:s12], $0x80  }
0xe0: {  	[sflag:s12] =	ssyncset.done $0x0  }
0xe1: {  	[sflag:s12] =	ssyncadd.s32 $0xFFFFFF80  }
0xe2: {  	[spmem:s24] =	stream.indirect.scatter.add.f32 [tilespmem:s10], [sflag:$0x4], $0x80, s7, s7, $0xb8;
	[tilespmem:$0x17E00] =	vst v63  }
0xe3: {  	_ =	swait.ge [sflag:s6], $0x4000  }
0xe4: {  	s4 =	sadd.s32 $0xFFFF6C00, s25;
	[sflag:s6] =	ssyncset.done $0x0  }
0xe5: {  	s21 =	sadd.s32 $0x9C00, s4;
	[sflag:s6] =	ssyncadd.s32 $0xFFFFC000  }
0xe6: {  	[tilespmem:s7], [sflag:$0x2] =	stream.linear.gather [hbm4b:s21+s1], $0x80, $0x38;
	[tilespmem:$0x17E00] =	vst v63  }
0xe7: {  	_ =	swait.ge [sflag:s14], $0x80  }
0xe8: {  	[sflag:s14] =	ssyncset.done $0x0  }
0xe9: {  	[sflag:s14] =	ssyncadd.s32 $0xFFFFFF80  }
0xea: {  	[spmem:s24] =	stream.indirect.scatter.add.f32 [tilespmem:s10], [sflag:$0x4], $0x80, s9, s7, $0xb8;
	[tilespmem:$0x17E00] =	vst v63  }
0xeb: {  	_ =	swait.ge [sflag:s6], $0x4000  }
0xec: {  	[sflag:s6] =	ssyncset.done $0x0  }
0xed: {  	s0 =	sadd.s32 $0x9E00, s4;
	[sflag:s6] =	ssyncadd.s32 $0xFFFFC000  }
0xee: {  	[tilespmem:s9], [sflag:$0x3] =	stream.linear.gather [hbm4b:s0+s1], $0x80, $0x38;
	[tilespmem:$0x17E00] =	vst v63  }
0xef: {  	_ =	swait.ge [sflag:s12], $0x80  }
0xf0: {  	[sflag:s12] =	ssyncset.done $0x0  }
0xf1: {  	[sflag:s12] =	ssyncadd.s32 $0xFFFFFF80  }
0xf2: {  	[spmem:s24] =	stream.indirect.scatter.add.f32 [tilespmem:s10], [sflag:$0x4], $0x80, s7, s7, $0xb8;
	[tilespmem:$0x17E00] =	vst v63  }
0xf3: {  	_ =	swait.ge [sflag:s6], $0x4000  }
0xf4: {  	s21 =	sadd.s32 $0xFFFF7000, s25;
	s0 =	simm.s32 $0xFFFF7400;
	[sflag:s6] =	ssyncset.done $0x0  }
.LBB2_5:
0xf5: {  	s2 =	sadd.s32 $0x9C00, s21  }
0xf6: {  	[sflag:s6] =	ssyncadd.s32 $0xFFFFC000;
	s3 =	smov.u32 s0;
	s4 =	sadd.s32 $0x400, s0  }
0xf7: {  	[tilespmem:s7], [sflag:$0x2] =	stream.linear.gather [hbm4b:s2+s1], $0x80, $0x38;
	[tilespmem:$0x17E00] =	vst v63  }
0xf8: {  	p1 =	sne.s32 s0, $0xFFFFFC00;
	_ =	swait.ge [sflag:s14], $0x80  }
0xf9: {  	[sflag:s14] =	ssyncset.done $0x0  }
0xfa: {  	[sflag:s14] =	ssyncadd.s32 $0xFFFFFF80  }
0xfb: {  	[spmem:s24] =	stream.indirect.scatter.add.f32 [tilespmem:s10], [sflag:$0x4], $0x80, s9, s7, $0xb8;
	[tilespmem:$0x17E00] =	vst v63  }
0xfc: {  	_ =	swait.ge [sflag:s6], $0x4000  }
0xfd: {  	[sflag:s6] =	ssyncset.done $0x0  }
0xfe: {  	s0 =	sadd.s32 $0x9E00, s21;
	[sflag:s6] =	ssyncadd.s32 $0xFFFFC000  }
0xff: {  	[tilespmem:s9], [sflag:$0x3] =	stream.linear.gather [hbm4b:s0+s1], $0x80, $0x38;
	[tilespmem:$0x17E00] =	vst v63  }
0x100: {  	_ =	swait.ge [sflag:s12], $0x80  }
.Ltmp2:
0x101: {  	[sflag:s12] =	ssyncset.done $0x0;
	(pc) =	sbr.rel @p1 .LBB2_5-.Ltmp2, $4  }
0x102: {  	[sflag:s12] =	ssyncadd.s32 $0xFFFFFF80  }
0x103: {  	[spmem:s24] =	stream.indirect.scatter.add.f32 [tilespmem:s10], [sflag:$0x4], $0x80, s7, s7, $0xb8;
	[tilespmem:$0x17E00] =	vst v63  }
0x104: {  	_ =	swait.ge [sflag:s6], $0x4000  }
0x105: {  	s21 =	sadd.s32 s3, s25;
	s0 =	smov.u32 s4;
	[sflag:s6] =	ssyncset.done $0x0  }
0x106: {  	s0 =	sadd.s32 $0x9C00, s21;
	[sflag:s6] =	ssyncadd.s32 $0xFFFFC000  }
0x107: {  	[tilespmem:s7], [sflag:$0x2] =	stream.linear.gather [hbm4b:s0+s1], $0x80, $0x38;
	[tilespmem:$0x17E00] =	vst v63  }
0x108: {  	_ =	swait.ge [sflag:s14], $0x80  }
0x109: {  	[sflag:s14] =	ssyncset.done $0x0  }
0x10a: {  	[sflag:s14] =	ssyncadd.s32 $0xFFFFFF80  }
0x10b: {  	[spmem:s24] =	stream.indirect.scatter.add.f32 [tilespmem:s10], [sflag:$0x4], $0x80, s9, s7, $0xb8;
	[tilespmem:$0x17E00] =	vst v63  }
0x10c: {  	_ =	swait.ge [sflag:s6], $0x4000  }
0x10d: {  	[sflag:s6] =	ssyncset.done $0x0  }
0x10e: {  	s3 =	sadd.s32 $0x9E00, s21;
	[sflag:s6] =	ssyncadd.s32 $0xFFFFC000  }
0x10f: {  	[tilespmem:s9], [sflag:$0x3] =	stream.linear.gather [hbm4b:s3+s1], $0x80, $0x38;
	[tilespmem:$0x17E00] =	vst v63  }
0x110: {  	_ =	swait.ge [sflag:s12], $0x80  }
0x111: {  	[sflag:s12] =	ssyncset.done $0x0  }
0x112: {  	[sflag:s12] =	ssyncadd.s32 $0xFFFFFF80  }
0x113: {  	[spmem:s24] =	stream.indirect.scatter.add.f32 [tilespmem:s10], [sflag:$0x4], $0x80, s7, s7, $0xb8;
	[tilespmem:$0x17E00] =	vst v63  }
0x114: {  	_ =	swait.ge [sflag:s6], $0x4000  }
0x115: {  	[sflag:s6] =	ssyncset.done $0x0  }
0x116: {  	[sflag:s6] =	ssyncadd.s32 $0xFFFFC000  }
0x117: {  	_ =	swait.ge [sflag:s14], $0x80  }
0x118: {  	[sflag:s14] =	ssyncset.done $0x0  }
0x119: {  	[sflag:s14] =	ssyncadd.s32 $0xFFFFFF80  }
0x11a: {  	[spmem:s24] =	stream.indirect.scatter.add.f32 [tilespmem:s10], [sflag:$0x4], $0x80, s9, s7, $0xb8;
	[tilespmem:$0x17E00] =	vst v63  }
0x11b: {  	_ =	swait.ge [sflag:s6], $0x4000  }
0x11c: {  	[sflag:s6] =	ssyncset.done $0x0  }
0x11d: {  	s2 =	simm.s32 @!p0 $0x80;
	s0 =	simm.s32 @!p0 $0x0;
	[sflag:s6] =	ssyncadd.s32 $0xFFFFC000  }
0x11e: {  	[tilespmem:s2], [sflag:$0x4] =	stream.linear.gather @!p0 [hbm4b:s5+s0], $0x80, $0x38;
	[tilespmem:$0x17E00] =	vst v63  }
0x11f: {  	s0 =	simm.s32 @!p0 $0x4  }
0x120: {  	_ =	swait.ge @!p0 [sflag:s0], $0x80  }
0x121: {  	[sflag:s0] =	ssyncset.done @!p0 $0x0  }
0x122: {  	s3 =	simm.s32 @!p0 $0x200;
	[sflag:s0] =	ssyncadd.s32 @!p0 $0xFFFFFF80  }
0x123: {  	[spmem:s24] =	stream.indirect.scatter.add.f32 @!p0 [tilespmem:s3], [sflag:$0x4], $0x80, s2, s2, $0xb8;
	[tilespmem:$0x17E00] =	vst v63  }
0x124: {  	_ =	swait.ge @!p0 [sflag:s0], $0x4000  }
0x125: {  	[sflag:s0] =	ssyncset.done @!p0 $0x0  }
0x126: {  	[sflag:s0] =	ssyncadd.s32 @!p0 $0xFFFFC000  }
0x127: {  	[bflag:$0x0] =	sbarrier.arrive $0xFFFF  }
0x128: {  	s4 =	rddreg [dreg:$0xb]  }
0x129: {  	[hbm:s4], [sflag:s31] =	dma.local [spmem:s16], $0x800  }
0x12a: {  	_ =	swait.ge [sflag:s6], $0x800  }
0x12b: {  	[sflag:s6] =	ssyncset.done $0x0  }
0x12c: {  	s16 =	rddreg [dreg:$0xc];
	[sflag:s6] =	ssyncadd.s32 $0xFFFFF800  }
0x12d: {  	[hbm:s16], [sflag:s31] =	dma.local [spmem:s18], $0x800  }
0x12e: {  	_ =	swait.ge [sflag:s6], $0x800  }
0x12f: {  	[sflag:s6] =	ssyncset.done $0x0  }
0x130: {  	s18 =	rddreg [dreg:$0xd];
	[sflag:s6] =	ssyncadd.s32 $0xFFFFF800  }
0x131: {  	[hbm:s18], [sflag:s31] =	dma.local [spmem:s20], $0x800  }
0x132: {  	_ =	swait.ge [sflag:s6], $0x800  }
0x133: {  	[sflag:s6] =	ssyncset.done $0x0  }
0x134: {  	s21 =	rddreg [dreg:$0xe];
	[sflag:s6] =	ssyncadd.s32 $0xFFFFF800  }
0x135: {  	[hbm:s21], [sflag:s31] =	dma.local [spmem:s29], $0x800  }
0x136: {  	_ =	swait.ge [sflag:s6], $0x800  }
0x137: {  	[sflag:s6] =	ssyncset.done $0x0  }
0x138: {  	s29 =	rddreg [dreg:$0xf];
	[sflag:s6] =	ssyncadd.s32 $0xFFFFF800  }
0x139: {  	[hbm:s29], [sflag:s31] =	dma.local [spmem:s30], $0x780  }
0x13a: {  	_ =	swait.ge [sflag:s6], $0x780  }
0x13b: {  	s15 =	sadd.s32 $0x1, s15;
	s30 =	rddreg [dreg:$0x1b]  }
0x13c: {  	p1 =	sne.s32 s15, s30  }
.Ltmp3:
0x13d: {  	_ = 	snop;
	(pc) =	sbr.rel @p1 .LBB2_1-.Ltmp3, $3  }
0x13e: {  	_ =	sdelay $0x1  }
0x13f: {  	[sflag:s6] =	ssyncset.done $0x0  }
0x140: {  	[sflag:s6] =	ssyncadd.s32 $0xFFFFF880  }
0x141: {  	_ =	sfence.sel $0x180000  }
0x142: {  	[bflag:$0x0] =	sbarrier.arrive $0xFFFF  }
0x143: {  	_ =	strace $0x90000047  }
0x144: {  	s0 =	stileid.u32;
	[bflag:$0x2] =	sbarrier.arrive $0xFFFF  }
0x145: {  	p0 =	sne.s32 s0, $0x0;
	s0 =	rddreg [dreg:$0x4]  }
0x146: {  	s0 =	sadd.s32 @!p0 $0x100000, s0  }
0x147: {  	[sflag:s0] =	ssyncadd.tile.s32 @!p0 $0x1;
	_ =	shalt  }
.Lfunc_end2:
_tile_overlayer_lowered:
.L_overlay_start_2:
0x148: {  	(tag) =	ssettag $0x2  }
0x149: {  	s0 =	rddreg [dreg:$0x0];
	s2 =	stileid.u32  }
0x14a: {  	s1 =	rddreg [dreg:$0x1];
	p0 =	sne.s32 s2, $0x0  }
0x14b: {  	s3 =	rddreg [dreg:$0x2];
	[bflag:$0x3] =	sbarrier.arrive $0xFFFF;
	s2 =	simm.s32 @!p0 $0x1C04  }
0x14c: {  	[timem:s3], [sflag:s2] =	dma.local @!p0 [hbm:s0], s1  }
0x14d: {  	s0 =	simm.s32 @!p0 $0x4  }
0x14e: {  	_ =	swait.ge @!p0 [sflag:s0], s1  }
0x14f: {  	s1 =	ssub.s32 @!p0 $0x0, s1;
	[sflag:s0] =	ssyncset.done @!p0 $0x0  }
0x150: {  	[sflag:s0] =	ssyncadd.s32 @!p0 s1  }
0x151: {  	[bflag:$0x3] =	sbarrier.arrive $0xFFFF  }
0x152: {  	_ =	shalt  }

</sc_bundles>
